<compile_context>
chip_gen: v7x
topology: tpu7x:2x2x1
jax: 0.10.2.dev20260603
libtpu: 0.0.44.dev20260713+nightly
codegen_flags: <defaults>
</compile_context>

<pallas_src>
import functools

import jax
import jax.numpy as jnp
from jax import lax
from jax.experimental import pallas as pl
from jax.experimental.pallas import tpu as pltpu
from jax.experimental.pallas import tpu_sc as plsc

N = 10000
D = 128
NLAYER = 3
BN_EPS = 1e-5

NP = 10112
E = 320000
NW = 32
CB = 128
NCHUNK = 80
EPW = NCHUNK * CB
EPAD = NW * EPW
RPT = NP // 16


def _sc_agg_body(h_hbm, src_hbm, dst_hbm, zero_hbm, out_hbm,
                 src_v, dst_v, rows_v, acc_sh, sem):
    c = lax.axis_index("c")
    s = lax.axis_index("s")
    wid = c * 16 + s
    pltpu.sync_copy(src_hbm.at[pl.ds(wid * EPW, EPW)], src_v)
    pltpu.sync_copy(dst_hbm.at[pl.ds(wid * NCHUNK, NCHUNK)], dst_v)
    pltpu.sync_copy(zero_hbm, rows_v)
    base = s * RPT
    for k in range(4):
        pltpu.sync_copy(rows_v, acc_sh.at[pl.ds(base + k * CB, CB)])
    pltpu.sync_copy(rows_v.at[pl.ds(0, RPT - 4 * CB)],
                    acc_sh.at[pl.ds(base + 4 * CB, RPT - 4 * CB)])
    plsc.subcore_barrier()

    def body(j, carry):
        pltpu.async_copy(h_hbm.at[src_v.at[pl.ds(j * CB, CB)]], rows_v,
                         sem).wait()
        pltpu.sync_copy(rows_v, acc_sh.at[dst_v.at[j]], add=True)
        return carry

    lax.fori_loop(0, NCHUNK, body, 0)
    plsc.subcore_barrier()
    pltpu.sync_copy(acc_sh.at[pl.ds(base, RPT)], out_hbm.at[c, pl.ds(base, RPT)])


@functools.cache
def _get_sc_agg():
    return functools.partial(
        pl.kernel,
        out_type=jax.ShapeDtypeStruct((2, NP, D), jnp.float32),
        mesh=plsc.VectorSubcoreMesh(core_axis_name="c", subcore_axis_name="s"),
        scratch_types=[
            pltpu.VMEM((EPW,), jnp.int32),
            pltpu.VMEM((NCHUNK, CB), jnp.int32),
            pltpu.VMEM((CB, D), jnp.float32),
            pltpu.VMEM_SHARED((NP, D), jnp.float32),
            pltpu.SemaphoreType.DMA,
        ],
    )(_sc_agg_body)


def _tc_transform_body(x_ref, wt_ref, bt_ref, g_ref, b_ref, o_ref):
    h = jnp.dot(x_ref[...], wt_ref[...], preferred_element_type=jnp.float32)
    h = h + bt_ref[...]
    mu = jnp.mean(h, axis=0, keepdims=True)
    dvar = h - mu
    var = jnp.mean(dvar * dvar, axis=0, keepdims=True)
    o_ref[...] = dvar * lax.rsqrt(var + BN_EPS) * g_ref[...] + b_ref[...]


def _tc_layer_body(h_ref, p_ref, w1_ref, w2_ref, g_ref, b_ref, o_ref):
    agg = p_ref[0, :N, :] + p_ref[1, :N, :]
    m = h_ref[...] + agg
    m = jnp.maximum(jnp.dot(m, w1_ref[...], preferred_element_type=jnp.float32), 0.0)
    m = jnp.maximum(jnp.dot(m, w2_ref[...], preferred_element_type=jnp.float32), 0.0)
    mu = jnp.mean(m, axis=0, keepdims=True)
    dvar = m - mu
    var = jnp.mean(dvar * dvar, axis=0, keepdims=True)
    o_ref[...] = dvar * lax.rsqrt(var + BN_EPS) * g_ref[...] + b_ref[...]


_f32 = jnp.float32


def kernel(x, edge_index, batch, Wt, bt, bn0_g, bn0_b, W1, W2, bng, bnb):
    del batch
    npad = EPAD - E
    src = jnp.concatenate([edge_index[0], jnp.zeros((npad,), jnp.int32)])
    dst = jnp.concatenate([edge_index[1], jnp.full((npad,), N, jnp.int32)])
    dst2d = dst.reshape(NW * NCHUNK, CB)
    zero_blk = jnp.zeros((CB, D), _f32)

    transform = pl.pallas_call(
        _tc_transform_body,
        out_shape=jax.ShapeDtypeStruct((N, D), _f32),
    )
    h = transform(x, Wt, bt.reshape(1, D), bn0_g.reshape(1, D),
                  bn0_b.reshape(1, D))

    layer = pl.pallas_call(
        _tc_layer_body,
        out_shape=jax.ShapeDtypeStruct((N, D), _f32),
    )
    sc_agg = _get_sc_agg()
    for i in range(NLAYER):
        parts = sc_agg(h, src, dst2d, zero_blk)
        h = layer(h, parts, W1[i], W2[i], bng[i].reshape(1, D),
                  bnb[i].reshape(1, D))
    return h

# --- scband reference (transcript-rebuilt; emitter-appended) ---
"""Pipeline reference for scband-gin-24318104830205 (READ-ONLY COPY).

The authoritative reference and input builder live on the scoring server;
editing this copy changes nothing except your own understanding.
"""

import jax, jax.numpy as jnp
import numpy as np

N = 10000
E = 320000
NFEAT = 128
NHID = 128
NLAYER = 3
BN_EPS = 1e-5


def setup_inputs(seed: int = 0) -> dict:
    key = jax.random.key(seed)
    ks = jax.random.split(key, 8)
    x = jax.random.normal(ks[0], (N, NFEAT), dtype=jnp.float32)
    edge_index = jax.random.randint(ks[1], (2, E), 0, N, dtype=jnp.int32)
    batch = jnp.zeros((N,), dtype=jnp.int32)  # single graph: num_graphs=1
    s = 1.0 / np.sqrt(NHID)
    Wt = jax.random.normal(ks[2], (NFEAT, NHID), dtype=jnp.float32) * s
    bt = jnp.zeros((NHID,), dtype=jnp.float32)
    bn0_g = jnp.ones((NHID,), dtype=jnp.float32)
    bn0_b = jnp.zeros((NHID,), dtype=jnp.float32)
    W1 = jax.random.normal(ks[3], (NLAYER, NHID, NHID), dtype=jnp.float32) * s
    W2 = jax.random.normal(ks[4], (NLAYER, NHID, NHID), dtype=jnp.float32) * s
    bng = jnp.ones((NLAYER, NHID), dtype=jnp.float32)
    bnb = jnp.zeros((NLAYER, NHID), dtype=jnp.float32)
    return {"x": x, "edge_index": edge_index, "batch": batch, "Wt": Wt, "bt": bt,
            "bn0_g": bn0_g, "bn0_b": bn0_b, "W1": W1, "W2": W2, "bng": bng, "bnb": bnb}


def _batchnorm(h, g, b):
    mu = jnp.mean(h, axis=0)
    var = jnp.var(h, axis=0)
    return (h - mu) / jnp.sqrt(var + BN_EPS) * g + b


def reference(x, edge_index, batch, Wt, bt, bn0_g, bn0_b, W1, W2, bng, bnb):
    # transform: Linear(nfeat, nhid) + BatchNorm1d
    h = x @ Wt + bt
    h = _batchnorm(h, bn0_g, bn0_b)
    src = edge_index[0]
    dst = edge_index[1]
    for i in range(NLAYER):
        # dropout(p=0) is identity
        # GINConv: mlp((1 + eps) * x + sum_{j in N(i)} x_j), eps = 0
        agg = jnp.zeros_like(h).at[dst].add(h[src])
        m = h + agg
        m = m @ W1[i]           # Linear(nhid, nhid, bias=False)
        m = jax.nn.relu(m)      # act inside MLP
        m = m @ W2[i]           # Linear(nhid, nhid, bias=False)
        h = jax.nn.relu(m)      # outer act
        h = _batchnorm(h, bng[i], bnb[i])
    # get_graph_embeddings with num_graphs=1 and batch==0 everywhere -> x[batch==0] == x
    return h

if __name__ == "__main__":
    import jax
    _d = setup_inputs()
    print(jax.jit(kernel)(*tuple(_d.values())))

</pallas_src>

<mosaic_0001>
#map = affine_map<(d0, d1) -> (0, 0)>
#map1 = affine_map<(d0, d1) -> (0)>
#map2 = affine_map<(d0, d1) -> (0, 0, 0)>
module attributes {stable_mosaic.version = 14 : i64} {
  func.func @_sc_agg_body(%arg0: i32, %arg1: i32, %arg2: memref<10000x128xf32, #tpu.memory_space<hbm>>, %arg3: memref<327680xi32, #tpu.memory_space<hbm>>, %arg4: memref<2560x128xi32, #tpu.memory_space<hbm>>, %arg5: memref<128x128xf32, #tpu.memory_space<hbm>>, %arg6: memref<2x10112x128xf32, #tpu.memory_space<hbm>>, %arg7: memref<10240xi32, #tpu.memory_space<vmem>>, %arg8: memref<80x128xi32, #tpu.memory_space<vmem>>, %arg9: memref<128x128xf32, #tpu.memory_space<vmem>>, %arg10: memref<10112x128xf32, #tpu.memory_space<vmem_shared>>, %arg11: memref<!tpu.dma_semaphore, #tpu.memory_space<semaphore_mem>>) attributes {dimension_semantics = [#tpu.dimension_semantics<core_parallel>, #tpu.dimension_semantics<subcore_parallel>], iteration_bounds = array<i64: 2, 16>, scalar_prefetch = 0 : i64, scratch_operands = 5 : i64, tpu.core_type = #tpu.core_type<sc_vector_subcore>, window_params = [{transform_indices = #map}, {transform_indices = #map1}, {transform_indices = #map}, {transform_indices = #map}, {transform_indices = #map2}]} {
    %mul3A = arith.constant 16 : i32
    %mul3A_0 = arith.muli %arg0, %mul3A : i32
    %add3A = arith.addi %mul3A_0, %arg1 : i32
    %mul3A_1 = arith.constant 10240 : i32
    %mul3A_2 = arith.muli %add3A, %mul3A_1 : i32
    "tpu.region"() ({
      %run_scoped3A = tpu.sem_alloc : memref<!tpu.dma_semaphore, #tpu.memory_space<semaphore_mem>>
      %dma_start3A = tpu.memref_slice %arg3[%mul3A_2] : memref<327680xi32, #tpu.memory_space<hbm>> -> memref<10240xi32, #tpu.memory_space<hbm>>
      %dma_start3A_23 = tpu.memref_slice %arg3[%mul3A_2] : memref<327680xi32, #tpu.memory_space<hbm>> -> memref<10240xi32, #tpu.memory_space<hbm>>
      tpu.enqueue_dma source(%dma_start3A_23 : memref<10240xi32, #tpu.memory_space<hbm>>) target(%arg7 : memref<10240xi32, #tpu.memory_space<vmem>>) target_semaphore(%run_scoped3A : memref<!tpu.dma_semaphore, #tpu.memory_space<semaphore_mem>>)
      %dma_wait3A = tpu.memref_slice %arg3[%mul3A_2] : memref<327680xi32, #tpu.memory_space<hbm>> -> memref<10240xi32, #tpu.memory_space<hbm>>
      %dma_wait3A_24 = tpu.memref_slice %arg3[%mul3A_2] : memref<327680xi32, #tpu.memory_space<hbm>> -> memref<10240xi32, #tpu.memory_space<hbm>>
      tpu.wait_dma2 semaphore(%run_scoped3A : memref<!tpu.dma_semaphore, #tpu.memory_space<semaphore_mem>>) src(%dma_wait3A_24 : memref<10240xi32, #tpu.memory_space<hbm>>) dst(%arg7 : memref<10240xi32, #tpu.memory_space<vmem>>)
      tpu.yield
    }) : () -> ()
    %mul3A_3 = arith.constant 80 : i32
    %mul3A_4 = arith.muli %add3A, %mul3A_3 : i32
    "tpu.region"() ({
      %run_scoped3A = tpu.sem_alloc : memref<!tpu.dma_semaphore, #tpu.memory_space<semaphore_mem>>
      %dma_start3A = arith.constant 0 : i32
      %dma_start3A_23 = tpu.memref_slice %arg4[%mul3A_4, %dma_start3A] : memref<2560x128xi32, #tpu.memory_space<hbm>> -> memref<80x128xi32, #tpu.memory_space<hbm>>
      %dma_start3A_24 = arith.constant 0 : i32
      %dma_start3A_25 = tpu.memref_slice %arg4[%mul3A_4, %dma_start3A_24] : memref<2560x128xi32, #tpu.memory_space<hbm>> -> memref<80x128xi32, #tpu.memory_space<hbm>>
      tpu.enqueue_dma source(%dma_start3A_25 : memref<80x128xi32, #tpu.memory_space<hbm>>) target(%arg8 : memref<80x128xi32, #tpu.memory_space<vmem>>) target_semaphore(%run_scoped3A : memref<!tpu.dma_semaphore, #tpu.memory_space<semaphore_mem>>)
      %dma_wait3A = arith.constant 0 : i32
      %dma_wait3A_26 = tpu.memref_slice %arg4[%mul3A_4, %dma_wait3A] : memref<2560x128xi32, #tpu.memory_space<hbm>> -> memref<80x128xi32, #tpu.memory_space<hbm>>
      %dma_wait3A_27 = arith.constant 0 : i32
      %dma_wait3A_28 = tpu.memref_slice %arg4[%mul3A_4, %dma_wait3A_27] : memref<2560x128xi32, #tpu.memory_space<hbm>> -> memref<80x128xi32, #tpu.memory_space<hbm>>
      tpu.wait_dma2 semaphore(%run_scoped3A : memref<!tpu.dma_semaphore, #tpu.memory_space<semaphore_mem>>) src(%dma_wait3A_28 : memref<80x128xi32, #tpu.memory_space<hbm>>) dst(%arg8 : memref<80x128xi32, #tpu.memory_space<vmem>>)
      tpu.yield
    }) : () -> ()
    "tpu.region"() ({
      %run_scoped3A = tpu.sem_alloc : memref<!tpu.dma_semaphore, #tpu.memory_space<semaphore_mem>>
      tpu.enqueue_dma source(%arg5 : memref<128x128xf32, #tpu.memory_space<hbm>>) target(%arg9 : memref<128x128xf32, #tpu.memory_space<vmem>>) target_semaphore(%run_scoped3A : memref<!tpu.dma_semaphore, #tpu.memory_space<semaphore_mem>>)
      tpu.wait_dma2 semaphore(%run_scoped3A : memref<!tpu.dma_semaphore, #tpu.memory_space<semaphore_mem>>) src(%arg5 : memref<128x128xf32, #tpu.memory_space<hbm>>) dst(%arg9 : memref<128x128xf32, #tpu.memory_space<vmem>>)
      tpu.yield
    }) : () -> ()
    %mul3A_5 = arith.constant 632 : i32
    %mul3A_6 = arith.muli %arg1, %mul3A_5 : i32
    %add3A_7 = arith.constant 0 : i32
    %add3A_8 = arith.addi %mul3A_6, %add3A_7 : i32
    "tpu.region"() ({
      %run_scoped3A = tpu.sem_alloc : memref<!tpu.dma_semaphore, #tpu.memory_space<semaphore_mem>>
      %dma_start3A = arith.constant 0 : i32
      %dma_start3A_23 = tpu.memref_slice %arg10[%add3A_8, %dma_start3A] : memref<10112x128xf32, #tpu.memory_space<vmem_shared>> -> memref<128x128xf32, #tpu.memory_space<vmem_shared>>
      %dma_start3A_24 = arith.constant 0 : i32
      %dma_start3A_25 = tpu.memref_slice %arg10[%add3A_8, %dma_start3A_24] : memref<10112x128xf32, #tpu.memory_space<vmem_shared>> -> memref<128x128xf32, #tpu.memory_space<vmem_shared>>
      tpu.enqueue_dma source(%arg9 : memref<128x128xf32, #tpu.memory_space<vmem>>) target(%dma_start3A_25 : memref<128x128xf32, #tpu.memory_space<vmem_shared>>) target_semaphore(%run_scoped3A : memref<!tpu.dma_semaphore, #tpu.memory_space<semaphore_mem>>)
      %dma_wait3A = arith.constant 0 : i32
      %dma_wait3A_26 = tpu.memref_slice %arg10[%add3A_8, %dma_wait3A] : memref<10112x128xf32, #tpu.memory_space<vmem_shared>> -> memref<128x128xf32, #tpu.memory_space<vmem_shared>>
      %dma_wait3A_27 = arith.constant 0 : i32
      %dma_wait3A_28 = tpu.memref_slice %arg10[%add3A_8, %dma_wait3A_27] : memref<10112x128xf32, #tpu.memory_space<vmem_shared>> -> memref<128x128xf32, #tpu.memory_space<vmem_shared>>
      tpu.wait_dma2 semaphore(%run_scoped3A : memref<!tpu.dma_semaphore, #tpu.memory_space<semaphore_mem>>) src(%arg9 : memref<128x128xf32, #tpu.memory_space<vmem>>) dst(%dma_wait3A_28 : memref<128x128xf32, #tpu.memory_space<vmem_shared>>)
      tpu.yield
    }) : () -> ()
    %add3A_9 = arith.constant 128 : i32
    %add3A_10 = arith.addi %mul3A_6, %add3A_9 : i32
    "tpu.region"() ({
      %run_scoped3A = tpu.sem_alloc : memref<!tpu.dma_semaphore, #tpu.memory_space<semaphore_mem>>
      %dma_start3A = arith.constant 0 : i32
      %dma_start3A_23 = tpu.memref_slice %arg10[%add3A_10, %dma_start3A] : memref<10112x128xf32, #tpu.memory_space<vmem_shared>> -> memref<128x128xf32, #tpu.memory_space<vmem_shared>>
      %dma_start3A_24 = arith.constant 0 : i32
      %dma_start3A_25 = tpu.memref_slice %arg10[%add3A_10, %dma_start3A_24] : memref<10112x128xf32, #tpu.memory_space<vmem_shared>> -> memref<128x128xf32, #tpu.memory_space<vmem_shared>>
      tpu.enqueue_dma source(%arg9 : memref<128x128xf32, #tpu.memory_space<vmem>>) target(%dma_start3A_25 : memref<128x128xf32, #tpu.memory_space<vmem_shared>>) target_semaphore(%run_scoped3A : memref<!tpu.dma_semaphore, #tpu.memory_space<semaphore_mem>>)
      %dma_wait3A = arith.constant 0 : i32
      %dma_wait3A_26 = tpu.memref_slice %arg10[%add3A_10, %dma_wait3A] : memref<10112x128xf32, #tpu.memory_space<vmem_shared>> -> memref<128x128xf32, #tpu.memory_space<vmem_shared>>
      %dma_wait3A_27 = arith.constant 0 : i32
      %dma_wait3A_28 = tpu.memref_slice %arg10[%add3A_10, %dma_wait3A_27] : memref<10112x128xf32, #tpu.memory_space<vmem_shared>> -> memref<128x128xf32, #tpu.memory_space<vmem_shared>>
      tpu.wait_dma2 semaphore(%run_scoped3A : memref<!tpu.dma_semaphore, #tpu.memory_space<semaphore_mem>>) src(%arg9 : memref<128x128xf32, #tpu.memory_space<vmem>>) dst(%dma_wait3A_28 : memref<128x128xf32, #tpu.memory_space<vmem_shared>>)
      tpu.yield
    }) : () -> ()
    %add3A_11 = arith.constant 256 : i32
    %add3A_12 = arith.addi %mul3A_6, %add3A_11 : i32
    "tpu.region"() ({
      %run_scoped3A = tpu.sem_alloc : memref<!tpu.dma_semaphore, #tpu.memory_space<semaphore_mem>>
      %dma_start3A = arith.constant 0 : i32
      %dma_start3A_23 = tpu.memref_slice %arg10[%add3A_12, %dma_start3A] : memref<10112x128xf32, #tpu.memory_space<vmem_shared>> -> memref<128x128xf32, #tpu.memory_space<vmem_shared>>
      %dma_start3A_24 = arith.constant 0 : i32
      %dma_start3A_25 = tpu.memref_slice %arg10[%add3A_12, %dma_start3A_24] : memref<10112x128xf32, #tpu.memory_space<vmem_shared>> -> memref<128x128xf32, #tpu.memory_space<vmem_shared>>
      tpu.enqueue_dma source(%arg9 : memref<128x128xf32, #tpu.memory_space<vmem>>) target(%dma_start3A_25 : memref<128x128xf32, #tpu.memory_space<vmem_shared>>) target_semaphore(%run_scoped3A : memref<!tpu.dma_semaphore, #tpu.memory_space<semaphore_mem>>)
      %dma_wait3A = arith.constant 0 : i32
      %dma_wait3A_26 = tpu.memref_slice %arg10[%add3A_12, %dma_wait3A] : memref<10112x128xf32, #tpu.memory_space<vmem_shared>> -> memref<128x128xf32, #tpu.memory_space<vmem_shared>>
      %dma_wait3A_27 = arith.constant 0 : i32
      %dma_wait3A_28 = tpu.memref_slice %arg10[%add3A_12, %dma_wait3A_27] : memref<10112x128xf32, #tpu.memory_space<vmem_shared>> -> memref<128x128xf32, #tpu.memory_space<vmem_shared>>
      tpu.wait_dma2 semaphore(%run_scoped3A : memref<!tpu.dma_semaphore, #tpu.memory_space<semaphore_mem>>) src(%arg9 : memref<128x128xf32, #tpu.memory_space<vmem>>) dst(%dma_wait3A_28 : memref<128x128xf32, #tpu.memory_space<vmem_shared>>)
      tpu.yield
    }) : () -> ()
    %add3A_13 = arith.constant 384 : i32
    %add3A_14 = arith.addi %mul3A_6, %add3A_13 : i32
    "tpu.region"() ({
      %run_scoped3A = tpu.sem_alloc : memref<!tpu.dma_semaphore, #tpu.memory_space<semaphore_mem>>
      %dma_start3A = arith.constant 0 : i32
      %dma_start3A_23 = tpu.memref_slice %arg10[%add3A_14, %dma_start3A] : memref<10112x128xf32, #tpu.memory_space<vmem_shared>> -> memref<128x128xf32, #tpu.memory_space<vmem_shared>>
      %dma_start3A_24 = arith.constant 0 : i32
      %dma_start3A_25 = tpu.memref_slice %arg10[%add3A_14, %dma_start3A_24] : memref<10112x128xf32, #tpu.memory_space<vmem_shared>> -> memref<128x128xf32, #tpu.memory_space<vmem_shared>>
      tpu.enqueue_dma source(%arg9 : memref<128x128xf32, #tpu.memory_space<vmem>>) target(%dma_start3A_25 : memref<128x128xf32, #tpu.memory_space<vmem_shared>>) target_semaphore(%run_scoped3A : memref<!tpu.dma_semaphore, #tpu.memory_space<semaphore_mem>>)
      %dma_wait3A = arith.constant 0 : i32
      %dma_wait3A_26 = tpu.memref_slice %arg10[%add3A_14, %dma_wait3A] : memref<10112x128xf32, #tpu.memory_space<vmem_shared>> -> memref<128x128xf32, #tpu.memory_space<vmem_shared>>
      %dma_wait3A_27 = arith.constant 0 : i32
      %dma_wait3A_28 = tpu.memref_slice %arg10[%add3A_14, %dma_wait3A_27] : memref<10112x128xf32, #tpu.memory_space<vmem_shared>> -> memref<128x128xf32, #tpu.memory_space<vmem_shared>>
      tpu.wait_dma2 semaphore(%run_scoped3A : memref<!tpu.dma_semaphore, #tpu.memory_space<semaphore_mem>>) src(%arg9 : memref<128x128xf32, #tpu.memory_space<vmem>>) dst(%dma_wait3A_28 : memref<128x128xf32, #tpu.memory_space<vmem_shared>>)
      tpu.yield
    }) : () -> ()
    %add3A_15 = arith.constant 512 : i32
    %add3A_16 = arith.addi %mul3A_6, %add3A_15 : i32
    "tpu.region"() ({
      %run_scoped3A = tpu.sem_alloc : memref<!tpu.dma_semaphore, #tpu.memory_space<semaphore_mem>>
      %dma_start3A = arith.constant 0 : i32
      %dma_start3A_23 = arith.constant 0 : i32
      %dma_start3A_24 = tpu.memref_slice %arg9[%dma_start3A, %dma_start3A_23] : memref<128x128xf32, #tpu.memory_space<vmem>> -> memref<120x128xf32, #tpu.memory_space<vmem>>
      %dma_start3A_25 = arith.constant 0 : i32
      %dma_start3A_26 = tpu.memref_slice %arg10[%add3A_16, %dma_start3A_25] : memref<10112x128xf32, #tpu.memory_space<vmem_shared>> -> memref<120x128xf32, #tpu.memory_space<vmem_shared>>
      %dma_start3A_27 = arith.constant 0 : i32
      %dma_start3A_28 = tpu.memref_slice %arg10[%add3A_16, %dma_start3A_27] : memref<10112x128xf32, #tpu.memory_space<vmem_shared>> -> memref<120x128xf32, #tpu.memory_space<vmem_shared>>
      %dma_start3A_29 = arith.constant 0 : i32
      %dma_start3A_30 = arith.constant 0 : i32
      %dma_start3A_31 = tpu.memref_slice %arg9[%dma_start3A_29, %dma_start3A_30] : memref<128x128xf32, #tpu.memory_space<vmem>> -> memref<120x128xf32, #tpu.memory_space<vmem>>
      tpu.enqueue_dma source(%dma_start3A_31 : memref<120x128xf32, #tpu.memory_space<vmem>>) target(%dma_start3A_28 : memref<120x128xf32, #tpu.memory_space<vmem_shared>>) target_semaphore(%run_scoped3A : memref<!tpu.dma_semaphore, #tpu.memory_space<semaphore_mem>>)
      %dma_wait3A = arith.constant 0 : i32
      %dma_wait3A_32 = arith.constant 0 : i32
      %dma_wait3A_33 = tpu.memref_slice %arg9[%dma_wait3A, %dma_wait3A_32] : memref<128x128xf32, #tpu.memory_space<vmem>> -> memref<120x128xf32, #tpu.memory_space<vmem>>
      %dma_wait3A_34 = arith.constant 0 : i32
      %dma_wait3A_35 = tpu.memref_slice %arg10[%add3A_16, %dma_wait3A_34] : memref<10112x128xf32, #tpu.memory_space<vmem_shared>> -> memref<120x128xf32, #tpu.memory_space<vmem_shared>>
      %dma_wait3A_36 = arith.constant 0 : i32
      %dma_wait3A_37 = tpu.memref_slice %arg10[%add3A_16, %dma_wait3A_36] : memref<10112x128xf32, #tpu.memory_space<vmem_shared>> -> memref<120x128xf32, #tpu.memory_space<vmem_shared>>
      %dma_wait3A_38 = arith.constant 0 : i32
      %dma_wait3A_39 = arith.constant 0 : i32
      %dma_wait3A_40 = tpu.memref_slice %arg9[%dma_wait3A_38, %dma_wait3A_39] : memref<128x128xf32, #tpu.memory_space<vmem>> -> memref<120x128xf32, #tpu.memory_space<vmem>>
      tpu.wait_dma2 semaphore(%run_scoped3A : memref<!tpu.dma_semaphore, #tpu.memory_space<semaphore_mem>>) src(%dma_wait3A_40 : memref<120x128xf32, #tpu.memory_space<vmem>>) dst(%dma_wait3A_37 : memref<120x128xf32, #tpu.memory_space<vmem_shared>>)
      tpu.yield
    }) : () -> ()
    %barrier3A = arith.constant 0 : index
    tpu.barrier barrier_id(%barrier3A)
    %scan3A = arith.constant 0 : i32
    %scan3A_17 = arith.constant 0 : i32
    %scan3A_18 = arith.constant 80 : i32
    %scan3A_19 = arith.addi %scan3A_17, %scan3A_18 : i32
    %scan3A_20 = arith.constant 1 : i32
    scf.for %scan3A_23 = %scan3A_17 to %scan3A_19 step %scan3A_20  : i32 {
      %mul3A_24 = arith.constant 128 : i32
      %mul3A_25 = arith.muli %scan3A_23, %mul3A_24 : i32
      %dma_start3A = tpu.memref_slice %arg7[%mul3A_25] : memref<10240xi32, #tpu.memory_space<vmem>> -> memref<128xi32, #tpu.memory_space<vmem>>
      %dma_start3A_26 = arith.constant 0 : i32
      %dma_start3A_27 = arith.constant 0 : i32
      %dma_start3A_28 = tpu.memref_slice %arg2[%dma_start3A_26, %dma_start3A_27] : memref<10000x128xf32, #tpu.memory_space<hbm>> -> memref<10000x128xf32, #tpu.memory_space<hbm>>
      tpu.enqueue_indirect_dma source(%dma_start3A_28 : memref<10000x128xf32, #tpu.memory_space<hbm>>) target(%arg9 : memref<128x128xf32, #tpu.memory_space<vmem>>) offsets(%dma_start3A : memref<128xi32, #tpu.memory_space<vmem>>) semaphore(%arg11 : memref<!tpu.dma_semaphore, #tpu.memory_space<semaphore_mem>>)
      %dma_wait3A = tpu.memref_slice %arg7[%mul3A_25] : memref<10240xi32, #tpu.memory_space<vmem>> -> memref<128xi32, #tpu.memory_space<vmem>>
      %dma_wait3A_29 = arith.constant 0 : i32
      %dma_wait3A_30 = arith.constant 0 : i32
      %dma_wait3A_31 = tpu.memref_slice %arg2[%dma_wait3A_29, %dma_wait3A_30] : memref<10000x128xf32, #tpu.memory_space<hbm>> -> memref<10000x128xf32, #tpu.memory_space<hbm>>
      tpu.wait_indirect_dma semaphore(%arg11 : memref<!tpu.dma_semaphore, #tpu.memory_space<semaphore_mem>>) src(%dma_wait3A_31 : memref<10000x128xf32, #tpu.memory_space<hbm>>) dst(%arg9 : memref<128x128xf32, #tpu.memory_space<vmem>>)
      "tpu.region"() ({
        %run_scoped3A = tpu.sem_alloc : memref<!tpu.dma_semaphore, #tpu.memory_space<semaphore_mem>>
        %dma_start3A_32 = arith.constant 0 : i32
        %dma_start3A_33 = tpu.memref_slice %arg8[%scan3A_23, %dma_start3A_32] : memref<80x128xi32, #tpu.memory_space<vmem>> -> memref<1x128xi32, #tpu.memory_space<vmem>>
        %dma_start3A_34 = tpu.memref_squeeze %dma_start3A_33 : memref<1x128xi32, #tpu.memory_space<vmem>> -> memref<128xi32, #tpu.memory_space<vmem>>
        %dma_start3A_35 = arith.constant 0 : i32
        %dma_start3A_36 = arith.constant 0 : i32
        %dma_start3A_37 = tpu.memref_slice %arg10[%dma_start3A_35, %dma_start3A_36] : memref<10112x128xf32, #tpu.memory_space<vmem_shared>> -> memref<10112x128xf32, #tpu.memory_space<vmem_shared>>
        tpu.enqueue_indirect_dma source(%arg9 : memref<128x128xf32, #tpu.memory_space<vmem>>) target(%dma_start3A_37 : memref<10112x128xf32, #tpu.memory_space<vmem_shared>>) offsets(%dma_start3A_34 : memref<128xi32, #tpu.memory_space<vmem>>) semaphore(%run_scoped3A : memref<!tpu.dma_semaphore, #tpu.memory_space<semaphore_mem>>) {add = true}
        %dma_wait3A_38 = arith.constant 0 : i32
        %dma_wait3A_39 = tpu.memref_slice %arg8[%scan3A_23, %dma_wait3A_38] : memref<80x128xi32, #tpu.memory_space<vmem>> -> memref<1x128xi32, #tpu.memory_space<vmem>>
        %dma_wait3A_40 = tpu.memref_squeeze %dma_wait3A_39 : memref<1x128xi32, #tpu.memory_space<vmem>> -> memref<128xi32, #tpu.memory_space<vmem>>
        %dma_wait3A_41 = arith.constant 0 : i32
        %dma_wait3A_42 = arith.constant 0 : i32
        %dma_wait3A_43 = tpu.memref_slice %arg10[%dma_wait3A_41, %dma_wait3A_42] : memref<10112x128xf32, #tpu.memory_space<vmem_shared>> -> memref<10112x128xf32, #tpu.memory_space<vmem_shared>>
        tpu.wait_indirect_dma semaphore(%run_scoped3A : memref<!tpu.dma_semaphore, #tpu.memory_space<semaphore_mem>>) src(%arg9 : memref<128x128xf32, #tpu.memory_space<vmem>>) dst(%dma_wait3A_43 : memref<10112x128xf32, #tpu.memory_space<vmem_shared>>)
        tpu.yield
      }) : () -> ()
    }
    %scan3A_21 = arith.constant 80 : i32
    %barrier3A_22 = arith.constant 0 : index
    tpu.barrier barrier_id(%barrier3A_22)
    "tpu.region"() ({
      %run_scoped3A = tpu.sem_alloc : memref<!tpu.dma_semaphore, #tpu.memory_space<semaphore_mem>>
      %dma_start3A = arith.constant 0 : i32
      %dma_start3A_23 = tpu.memref_slice %arg6[%arg0, %mul3A_6, %dma_start3A] : memref<2x10112x128xf32, #tpu.memory_space<hbm>> -> memref<1x632x128xf32, #tpu.memory_space<hbm>>
      %dma_start3A_24 = tpu.memref_squeeze %dma_start3A_23 : memref<1x632x128xf32, #tpu.memory_space<hbm>> -> memref<632x128xf32, #tpu.memory_space<hbm>>
      %dma_start3A_25 = arith.constant 0 : i32
      %dma_start3A_26 = tpu.memref_slice %arg10[%mul3A_6, %dma_start3A_25] : memref<10112x128xf32, #tpu.memory_space<vmem_shared>> -> memref<632x128xf32, #tpu.memory_space<vmem_shared>>
      tpu.enqueue_dma source(%dma_start3A_26 : memref<632x128xf32, #tpu.memory_space<vmem_shared>>) target(%dma_start3A_24 : memref<632x128xf32, #tpu.memory_space<hbm>>) target_semaphore(%run_scoped3A : memref<!tpu.dma_semaphore, #tpu.memory_space<semaphore_mem>>)
      %dma_wait3A = arith.constant 0 : i32
      %dma_wait3A_27 = tpu.memref_slice %arg6[%arg0, %mul3A_6, %dma_wait3A] : memref<2x10112x128xf32, #tpu.memory_space<hbm>> -> memref<1x632x128xf32, #tpu.memory_space<hbm>>
      %dma_wait3A_28 = tpu.memref_squeeze %dma_wait3A_27 : memref<1x632x128xf32, #tpu.memory_space<hbm>> -> memref<632x128xf32, #tpu.memory_space<hbm>>
      %dma_wait3A_29 = arith.constant 0 : i32
      %dma_wait3A_30 = tpu.memref_slice %arg10[%mul3A_6, %dma_wait3A_29] : memref<10112x128xf32, #tpu.memory_space<vmem_shared>> -> memref<632x128xf32, #tpu.memory_space<vmem_shared>>
      tpu.wait_dma2 semaphore(%run_scoped3A : memref<!tpu.dma_semaphore, #tpu.memory_space<semaphore_mem>>) src(%dma_wait3A_30 : memref<632x128xf32, #tpu.memory_space<vmem_shared>>) dst(%dma_wait3A_28 : memref<632x128xf32, #tpu.memory_space<hbm>>)
      tpu.yield
    }) : () -> ()
    return
  }
}

#map = affine_map<(d0, d1) -> (0, 0)>
#map1 = affine_map<(d0, d1) -> (0)>
#map2 = affine_map<(d0, d1) -> (0, 0, 0)>
module attributes {stable_mosaic.version = 14 : i64} {
  func.func @_sc_agg_body(%arg0: i32, %arg1: i32, %arg2: memref<10000x128xf32, #tpu.memory_space<hbm>>, %arg3: memref<327680xi32, #tpu.memory_space<hbm>>, %arg4: memref<2560x128xi32, #tpu.memory_space<hbm>>, %arg5: memref<128x128xf32, #tpu.memory_space<hbm>>, %arg6: memref<2x10112x128xf32, #tpu.memory_space<hbm>>, %arg7: memref<10240xi32, #tpu.memory_space<vmem>>, %arg8: memref<80x128xi32, #tpu.memory_space<vmem>>, %arg9: memref<128x128xf32, #tpu.memory_space<vmem>>, %arg10: memref<10112x128xf32, #tpu.memory_space<vmem_shared>>, %arg11: memref<!tpu.dma_semaphore, #tpu.memory_space<semaphore_mem>>) attributes {dimension_semantics = [#tpu.dimension_semantics<core_parallel>, #tpu.dimension_semantics<subcore_parallel>], iteration_bounds = array<i64: 2, 16>, scalar_prefetch = 0 : i64, scratch_operands = 5 : i64, tpu.core_type = #tpu.core_type<sc_vector_subcore>, window_params = [{transform_indices = #map}, {transform_indices = #map1}, {transform_indices = #map}, {transform_indices = #map}, {transform_indices = #map2}]} {
    %mul3A = arith.constant 16 : i32
    %mul3A_0 = arith.muli %arg0, %mul3A : i32
    %add3A = arith.addi %mul3A_0, %arg1 : i32
    %mul3A_1 = arith.constant 10240 : i32
    %mul3A_2 = arith.muli %add3A, %mul3A_1 : i32
    "tpu.region"() ({
      %run_scoped3A = tpu.sem_alloc : memref<!tpu.dma_semaphore, #tpu.memory_space<semaphore_mem>>
      %dma_start3A = tpu.memref_slice %arg3[%mul3A_2] : memref<327680xi32, #tpu.memory_space<hbm>> -> memref<10240xi32, #tpu.memory_space<hbm>>
      %dma_start3A_23 = tpu.memref_slice %arg3[%mul3A_2] : memref<327680xi32, #tpu.memory_space<hbm>> -> memref<10240xi32, #tpu.memory_space<hbm>>
      tpu.enqueue_dma source(%dma_start3A_23 : memref<10240xi32, #tpu.memory_space<hbm>>) target(%arg7 : memref<10240xi32, #tpu.memory_space<vmem>>) target_semaphore(%run_scoped3A : memref<!tpu.dma_semaphore, #tpu.memory_space<semaphore_mem>>)
      %dma_wait3A = tpu.memref_slice %arg3[%mul3A_2] : memref<327680xi32, #tpu.memory_space<hbm>> -> memref<10240xi32, #tpu.memory_space<hbm>>
      %dma_wait3A_24 = tpu.memref_slice %arg3[%mul3A_2] : memref<327680xi32, #tpu.memory_space<hbm>> -> memref<10240xi32, #tpu.memory_space<hbm>>
      tpu.wait_dma2 semaphore(%run_scoped3A : memref<!tpu.dma_semaphore, #tpu.memory_space<semaphore_mem>>) src(%dma_wait3A_24 : memref<10240xi32, #tpu.memory_space<hbm>>) dst(%arg7 : memref<10240xi32, #tpu.memory_space<vmem>>)
      tpu.yield
    }) : () -> ()
    %mul3A_3 = arith.constant 80 : i32
    %mul3A_4 = arith.muli %add3A, %mul3A_3 : i32
    "tpu.region"() ({
      %run_scoped3A = tpu.sem_alloc : memref<!tpu.dma_semaphore, #tpu.memory_space<semaphore_mem>>
      %dma_start3A = arith.constant 0 : i32
      %dma_start3A_23 = tpu.memref_slice %arg4[%mul3A_4, %dma_start3A] : memref<2560x128xi32, #tpu.memory_space<hbm>> -> memref<80x128xi32, #tpu.memory_space<hbm>>
      %dma_start3A_24 = arith.constant 0 : i32
      %dma_start3A_25 = tpu.memref_slice %arg4[%mul3A_4, %dma_start3A_24] : memref<2560x128xi32, #tpu.memory_space<hbm>> -> memref<80x128xi32, #tpu.memory_space<hbm>>
      tpu.enqueue_dma source(%dma_start3A_25 : memref<80x128xi32, #tpu.memory_space<hbm>>) target(%arg8 : memref<80x128xi32, #tpu.memory_space<vmem>>) target_semaphore(%run_scoped3A : memref<!tpu.dma_semaphore, #tpu.memory_space<semaphore_mem>>)
      %dma_wait3A = arith.constant 0 : i32
      %dma_wait3A_26 = tpu.memref_slice %arg4[%mul3A_4, %dma_wait3A] : memref<2560x128xi32, #tpu.memory_space<hbm>> -> memref<80x128xi32, #tpu.memory_space<hbm>>
      %dma_wait3A_27 = arith.constant 0 : i32
      %dma_wait3A_28 = tpu.memref_slice %arg4[%mul3A_4, %dma_wait3A_27] : memref<2560x128xi32, #tpu.memory_space<hbm>> -> memref<80x128xi32, #tpu.memory_space<hbm>>
      tpu.wait_dma2 semaphore(%run_scoped3A : memref<!tpu.dma_semaphore, #tpu.memory_space<semaphore_mem>>) src(%dma_wait3A_28 : memref<80x128xi32, #tpu.memory_space<hbm>>) dst(%arg8 : memref<80x128xi32, #tpu.memory_space<vmem>>)
      tpu.yield
    }) : () -> ()
    "tpu.region"() ({
      %run_scoped3A = tpu.sem_alloc : memref<!tpu.dma_semaphore, #tpu.memory_space<semaphore_mem>>
      tpu.enqueue_dma source(%arg5 : memref<128x128xf32, #tpu.memory_space<hbm>>) target(%arg9 : memref<128x128xf32, #tpu.memory_space<vmem>>) target_semaphore(%run_scoped3A : memref<!tpu.dma_semaphore, #tpu.memory_space<semaphore_mem>>)
      tpu.wait_dma2 semaphore(%run_scoped3A : memref<!tpu.dma_semaphore, #tpu.memory_space<semaphore_mem>>) src(%arg5 : memref<128x128xf32, #tpu.memory_space<hbm>>) dst(%arg9 : memref<128x128xf32, #tpu.memory_space<vmem>>)
      tpu.yield
    }) : () -> ()
    %mul3A_5 = arith.constant 632 : i32
    %mul3A_6 = arith.muli %arg1, %mul3A_5 : i32
    %add3A_7 = arith.constant 0 : i32
    %add3A_8 = arith.addi %mul3A_6, %add3A_7 : i32
    "tpu.region"() ({
      %run_scoped3A = tpu.sem_alloc : memref<!tpu.dma_semaphore, #tpu.memory_space<semaphore_mem>>
      %dma_start3A = arith.constant 0 : i32
      %dma_start3A_23 = tpu.memref_slice %arg10[%add3A_8, %dma_start3A] : memref<10112x128xf32, #tpu.memory_space<vmem_shared>> -> memref<128x128xf32, #tpu.memory_space<vmem_shared>>
      %dma_start3A_24 = arith.constant 0 : i32
      %dma_start3A_25 = tpu.memref_slice %arg10[%add3A_8, %dma_start3A_24] : memref<10112x128xf32, #tpu.memory_space<vmem_shared>> -> memref<128x128xf32, #tpu.memory_space<vmem_shared>>
      tpu.enqueue_dma source(%arg9 : memref<128x128xf32, #tpu.memory_space<vmem>>) target(%dma_start3A_25 : memref<128x128xf32, #tpu.memory_space<vmem_shared>>) target_semaphore(%run_scoped3A : memref<!tpu.dma_semaphore, #tpu.memory_space<semaphore_mem>>)
      %dma_wait3A = arith.constant 0 : i32
      %dma_wait3A_26 = tpu.memref_slice %arg10[%add3A_8, %dma_wait3A] : memref<10112x128xf32, #tpu.memory_space<vmem_shared>> -> memref<128x128xf32, #tpu.memory_space<vmem_shared>>
      %dma_wait3A_27 = arith.constant 0 : i32
      %dma_wait3A_28 = tpu.memref_slice %arg10[%add3A_8, %dma_wait3A_27] : memref<10112x128xf32, #tpu.memory_space<vmem_shared>> -> memref<128x128xf32, #tpu.memory_space<vmem_shared>>
      tpu.wait_dma2 semaphore(%run_scoped3A : memref<!tpu.dma_semaphore, #tpu.memory_space<semaphore_mem>>) src(%arg9 : memref<128x128xf32, #tpu.memory_space<vmem>>) dst(%dma_wait3A_28 : memref<128x128xf32, #tpu.memory_space<vmem_shared>>)
      tpu.yield
    }) : () -> ()
    %add3A_9 = arith.constant 128 : i32
    %add3A_10 = arith.addi %mul3A_6, %add3A_9 : i32
    "tpu.region"() ({
      %run_scoped3A = tpu.sem_alloc : memref<!tpu.dma_semaphore, #tpu.memory_space<semaphore_mem>>
      %dma_start3A = arith.constant 0 : i32
      %dma_start3A_23 = tpu.memref_slice %arg10[%add3A_10, %dma_start3A] : memref<10112x128xf32, #tpu.memory_space<vmem_shared>> -> memref<128x128xf32, #tpu.memory_space<vmem_shared>>
      %dma_start3A_24 = arith.constant 0 : i32
      %dma_start3A_25 = tpu.memref_slice %arg10[%add3A_10, %dma_start3A_24] : memref<10112x128xf32, #tpu.memory_space<vmem_shared>> -> memref<128x128xf32, #tpu.memory_space<vmem_shared>>
      tpu.enqueue_dma source(%arg9 : memref<128x128xf32, #tpu.memory_space<vmem>>) target(%dma_start3A_25 : memref<128x128xf32, #tpu.memory_space<vmem_shared>>) target_semaphore(%run_scoped3A : memref<!tpu.dma_semaphore, #tpu.memory_space<semaphore_mem>>)
      %dma_wait3A = arith.constant 0 : i32
      %dma_wait3A_26 = tpu.memref_slice %arg10[%add3A_10, %dma_wait3A] : memref<10112x128xf32, #tpu.memory_space<vmem_shared>> -> memref<128x128xf32, #tpu.memory_space<vmem_shared>>
      %dma_wait3A_27 = arith.constant 0 : i32
      %dma_wait3A_28 = tpu.memref_slice %arg10[%add3A_10, %dma_wait3A_27] : memref<10112x128xf32, #tpu.memory_space<vmem_shared>> -> memref<128x128xf32, #tpu.memory_space<vmem_shared>>
      tpu.wait_dma2 semaphore(%run_scoped3A : memref<!tpu.dma_semaphore, #tpu.memory_space<semaphore_mem>>) src(%arg9 : memref<128x128xf32, #tpu.memory_space<vmem>>) dst(%dma_wait3A_28 : memref<128x128xf32, #tpu.memory_space<vmem_shared>>)
      tpu.yield
    }) : () -> ()
    %add3A_11 = arith.constant 256 : i32
    %add3A_12 = arith.addi %mul3A_6, %add3A_11 : i32
    "tpu.region"() ({
      %run_scoped3A = tpu.sem_alloc : memref<!tpu.dma_semaphore, #tpu.memory_space<semaphore_mem>>
      %dma_start3A = arith.constant 0 : i32
      %dma_start3A_23 = tpu.memref_slice %arg10[%add3A_12, %dma_start3A] : memref<10112x128xf32, #tpu.memory_space<vmem_shared>> -> memref<128x128xf32, #tpu.memory_space<vmem_shared>>
      %dma_start3A_24 = arith.constant 0 : i32
      %dma_start3A_25 = tpu.memref_slice %arg10[%add3A_12, %dma_start3A_24] : memref<10112x128xf32, #tpu.memory_space<vmem_shared>> -> memref<128x128xf32, #tpu.memory_space<vmem_shared>>
      tpu.enqueue_dma source(%arg9 : memref<128x128xf32, #tpu.memory_space<vmem>>) target(%dma_start3A_25 : memref<128x128xf32, #tpu.memory_space<vmem_shared>>) target_semaphore(%run_scoped3A : memref<!tpu.dma_semaphore, #tpu.memory_space<semaphore_mem>>)
      %dma_wait3A = arith.constant 0 : i32
      %dma_wait3A_26 = tpu.memref_slice %arg10[%add3A_12, %dma_wait3A] : memref<10112x128xf32, #tpu.memory_space<vmem_shared>> -> memref<128x128xf32, #tpu.memory_space<vmem_shared>>
      %dma_wait3A_27 = arith.constant 0 : i32
      %dma_wait3A_28 = tpu.memref_slice %arg10[%add3A_12, %dma_wait3A_27] : memref<10112x128xf32, #tpu.memory_space<vmem_shared>> -> memref<128x128xf32, #tpu.memory_space<vmem_shared>>
      tpu.wait_dma2 semaphore(%run_scoped3A : memref<!tpu.dma_semaphore, #tpu.memory_space<semaphore_mem>>) src(%arg9 : memref<128x128xf32, #tpu.memory_space<vmem>>) dst(%dma_wait3A_28 : memref<128x128xf32, #tpu.memory_space<vmem_shared>>)
      tpu.yield
    }) : () -> ()
    %add3A_13 = arith.constant 384 : i32
    %add3A_14 = arith.addi %mul3A_6, %add3A_13 : i32
    "tpu.region"() ({
      %run_scoped3A = tpu.sem_alloc : memref<!tpu.dma_semaphore, #tpu.memory_space<semaphore_mem>>
      %dma_start3A = arith.constant 0 : i32
      %dma_start3A_23 = tpu.memref_slice %arg10[%add3A_14, %dma_start3A] : memref<10112x128xf32, #tpu.memory_space<vmem_shared>> -> memref<128x128xf32, #tpu.memory_space<vmem_shared>>
      %dma_start3A_24 = arith.constant 0 : i32
      %dma_start3A_25 = tpu.memref_slice %arg10[%add3A_14, %dma_start3A_24] : memref<10112x128xf32, #tpu.memory_space<vmem_shared>> -> memref<128x128xf32, #tpu.memory_space<vmem_shared>>
      tpu.enqueue_dma source(%arg9 : memref<128x128xf32, #tpu.memory_space<vmem>>) target(%dma_start3A_25 : memref<128x128xf32, #tpu.memory_space<vmem_shared>>) target_semaphore(%run_scoped3A : memref<!tpu.dma_semaphore, #tpu.memory_space<semaphore_mem>>)
      %dma_wait3A = arith.constant 0 : i32
      %dma_wait3A_26 = tpu.memref_slice %arg10[%add3A_14, %dma_wait3A] : memref<10112x128xf32, #tpu.memory_space<vmem_shared>> -> memref<128x128xf32, #tpu.memory_space<vmem_shared>>
      %dma_wait3A_27 = arith.constant 0 : i32
      %dma_wait3A_28 = tpu.memref_slice %arg10[%add3A_14, %dma_wait3A_27] : memref<10112x128xf32, #tpu.memory_space<vmem_shared>> -> memref<128x128xf32, #tpu.memory_space<vmem_shared>>
      tpu.wait_dma2 semaphore(%run_scoped3A : memref<!tpu.dma_semaphore, #tpu.memory_space<semaphore_mem>>) src(%arg9 : memref<128x128xf32, #tpu.memory_space<vmem>>) dst(%dma_wait3A_28 : memref<128x128xf32, #tpu.memory_space<vmem_shared>>)
      tpu.yield
    }) : () -> ()
    %add3A_15 = arith.constant 512 : i32
    %add3A_16 = arith.addi %mul3A_6, %add3A_15 : i32
    "tpu.region"() ({
      %run_scoped3A = tpu.sem_alloc : memref<!tpu.dma_semaphore, #tpu.memory_space<semaphore_mem>>
      %dma_start3A = arith.constant 0 : i32
      %dma_start3A_23 = arith.constant 0 : i32
      %dma_start3A_24 = tpu.memref_slice %arg9[%dma_start3A, %dma_start3A_23] : memref<128x128xf32, #tpu.memory_space<vmem>> -> memref<120x128xf32, #tpu.memory_space<vmem>>
      %dma_start3A_25 = arith.constant 0 : i32
      %dma_start3A_26 = tpu.memref_slice %arg10[%add3A_16, %dma_start3A_25] : memref<10112x128xf32, #tpu.memory_space<vmem_shared>> -> memref<120x128xf32, #tpu.memory_space<vmem_shared>>
      %dma_start3A_27 = arith.constant 0 : i32
      %dma_start3A_28 = tpu.memref_slice %arg10[%add3A_16, %dma_start3A_27] : memref<10112x128xf32, #tpu.memory_space<vmem_shared>> -> memref<120x128xf32, #tpu.memory_space<vmem_shared>>
      %dma_start3A_29 = arith.constant 0 : i32
      %dma_start3A_30 = arith.constant 0 : i32
      %dma_start3A_31 = tpu.memref_slice %arg9[%dma_start3A_29, %dma_start3A_30] : memref<128x128xf32, #tpu.memory_space<vmem>> -> memref<120x128xf32, #tpu.memory_space<vmem>>
      tpu.enqueue_dma source(%dma_start3A_31 : memref<120x128xf32, #tpu.memory_space<vmem>>) target(%dma_start3A_28 : memref<120x128xf32, #tpu.memory_space<vmem_shared>>) target_semaphore(%run_scoped3A : memref<!tpu.dma_semaphore, #tpu.memory_space<semaphore_mem>>)
      %dma_wait3A = arith.constant 0 : i32
      %dma_wait3A_32 = arith.constant 0 : i32
      %dma_wait3A_33 = tpu.memref_slice %arg9[%dma_wait3A, %dma_wait3A_32] : memref<128x128xf32, #tpu.memory_space<vmem>> -> memref<120x128xf32, #tpu.memory_space<vmem>>
      %dma_wait3A_34 = arith.constant 0 : i32
      %dma_wait3A_35 = tpu.memref_slice %arg10[%add3A_16, %dma_wait3A_34] : memref<10112x128xf32, #tpu.memory_space<vmem_shared>> -> memref<120x128xf32, #tpu.memory_space<vmem_shared>>
      %dma_wait3A_36 = arith.constant 0 : i32
      %dma_wait3A_37 = tpu.memref_slice %arg10[%add3A_16, %dma_wait3A_36] : memref<10112x128xf32, #tpu.memory_space<vmem_shared>> -> memref<120x128xf32, #tpu.memory_space<vmem_shared>>
      %dma_wait3A_38 = arith.constant 0 : i32
      %dma_wait3A_39 = arith.constant 0 : i32
      %dma_wait3A_40 = tpu.memref_slice %arg9[%dma_wait3A_38, %dma_wait3A_39] : memref<128x128xf32, #tpu.memory_space<vmem>> -> memref<120x128xf32, #tpu.memory_space<vmem>>
      tpu.wait_dma2 semaphore(%run_scoped3A : memref<!tpu.dma_semaphore, #tpu.memory_space<semaphore_mem>>) src(%dma_wait3A_40 : memref<120x128xf32, #tpu.memory_space<vmem>>) dst(%dma_wait3A_37 : memref<120x128xf32, #tpu.memory_space<vmem_shared>>)
      tpu.yield
    }) : () -> ()
    %barrier3A = arith.constant 0 : index
    tpu.barrier barrier_id(%barrier3A)
    %scan3A = arith.constant 0 : i32
    %scan3A_17 = arith.constant 0 : i32
    %scan3A_18 = arith.constant 80 : i32
    %scan3A_19 = arith.addi %scan3A_17, %scan3A_18 : i32
    %scan3A_20 = arith.constant 1 : i32
    scf.for %scan3A_23 = %scan3A_17 to %scan3A_19 step %scan3A_20  : i32 {
      %mul3A_24 = arith.constant 128 : i32
      %mul3A_25 = arith.muli %scan3A_23, %mul3A_24 : i32
      %dma_start3A = tpu.memref_slice %arg7[%mul3A_25] : memref<10240xi32, #tpu.memory_space<vmem>> -> memref<128xi32, #tpu.memory_space<vmem>>
      %dma_start3A_26 = arith.constant 0 : i32
      %dma_start3A_27 = arith.constant 0 : i32
      %dma_start3A_28 = tpu.memref_slice %arg2[%dma_start3A_26, %dma_start3A_27] : memref<10000x128xf32, #tpu.memory_space<hbm>> -> memref<10000x128xf32, #tpu.memory_space<hbm>>
      tpu.enqueue_indirect_dma source(%dma_start3A_28 : memref<10000x128xf32, #tpu.memory_space<hbm>>) target(%arg9 : memref<128x128xf32, #tpu.memory_space<vmem>>) offsets(%dma_start3A : memref<128xi32, #tpu.memory_space<vmem>>) semaphore(%arg11 : memref<!tpu.dma_semaphore, #tpu.memory_space<semaphore_mem>>)
      %dma_wait3A = tpu.memref_slice %arg7[%mul3A_25] : memref<10240xi32, #tpu.memory_space<vmem>> -> memref<128xi32, #tpu.memory_space<vmem>>
      %dma_wait3A_29 = arith.constant 0 : i32
      %dma_wait3A_30 = arith.constant 0 : i32
      %dma_wait3A_31 = tpu.memref_slice %arg2[%dma_wait3A_29, %dma_wait3A_30] : memref<10000x128xf32, #tpu.memory_space<hbm>> -> memref<10000x128xf32, #tpu.memory_space<hbm>>
      tpu.wait_indirect_dma semaphore(%arg11 : memref<!tpu.dma_semaphore, #tpu.memory_space<semaphore_mem>>) src(%dma_wait3A_31 : memref<10000x128xf32, #tpu.memory_space<hbm>>) dst(%arg9 : memref<128x128xf32, #tpu.memory_space<vmem>>)
      "tpu.region"() ({
        %run_scoped3A = tpu.sem_alloc : memref<!tpu.dma_semaphore, #tpu.memory_space<semaphore_mem>>
        %dma_start3A_32 = arith.constant 0 : i32
        %dma_start3A_33 = tpu.memref_slice %arg8[%scan3A_23, %dma_start3A_32] : memref<80x128xi32, #tpu.memory_space<vmem>> -> memref<1x128xi32, #tpu.memory_space<vmem>>
        %dma_start3A_34 = tpu.memref_squeeze %dma_start3A_33 : memref<1x128xi32, #tpu.memory_space<vmem>> -> memref<128xi32, #tpu.memory_space<vmem>>
        %dma_start3A_35 = arith.constant 0 : i32
        %dma_start3A_36 = arith.constant 0 : i32
        %dma_start3A_37 = tpu.memref_slice %arg10[%dma_start3A_35, %dma_start3A_36] : memref<10112x128xf32, #tpu.memory_space<vmem_shared>> -> memref<10112x128xf32, #tpu.memory_space<vmem_shared>>
        tpu.enqueue_indirect_dma source(%arg9 : memref<128x128xf32, #tpu.memory_space<vmem>>) target(%dma_start3A_37 : memref<10112x128xf32, #tpu.memory_space<vmem_shared>>) offsets(%dma_start3A_34 : memref<128xi32, #tpu.memory_space<vmem>>) semaphore(%run_scoped3A : memref<!tpu.dma_semaphore, #tpu.memory_space<semaphore_mem>>) {add = true}
        %dma_wait3A_38 = arith.constant 0 : i32
        %dma_wait3A_39 = tpu.memref_slice %arg8[%scan3A_23, %dma_wait3A_38] : memref<80x128xi32, #tpu.memory_space<vmem>> -> memref<1x128xi32, #tpu.memory_space<vmem>>
        %dma_wait3A_40 = tpu.memref_squeeze %dma_wait3A_39 : memref<1x128xi32, #tpu.memory_space<vmem>> -> memref<128xi32, #tpu.memory_space<vmem>>
        %dma_wait3A_41 = arith.constant 0 : i32
        %dma_wait3A_42 = arith.constant 0 : i32
        %dma_wait3A_43 = tpu.memref_slice %arg10[%dma_wait3A_41, %dma_wait3A_42] : memref<10112x128xf32, #tpu.memory_space<vmem_shared>> -> memref<10112x128xf32, #tpu.memory_space<vmem_shared>>
        tpu.wait_indirect_dma semaphore(%run_scoped3A : memref<!tpu.dma_semaphore, #tpu.memory_space<semaphore_mem>>) src(%arg9 : memref<128x128xf32, #tpu.memory_space<vmem>>) dst(%dma_wait3A_43 : memref<10112x128xf32, #tpu.memory_space<vmem_shared>>)
        tpu.yield
      }) : () -> ()
    }
    %scan3A_21 = arith.constant 80 : i32
    %barrier3A_22 = arith.constant 0 : index
    tpu.barrier barrier_id(%barrier3A_22)
    "tpu.region"() ({
      %run_scoped3A = tpu.sem_alloc : memref<!tpu.dma_semaphore, #tpu.memory_space<semaphore_mem>>
      %dma_start3A = arith.constant 0 : i32
      %dma_start3A_23 = tpu.memref_slice %arg6[%arg0, %mul3A_6, %dma_start3A] : memref<2x10112x128xf32, #tpu.memory_space<hbm>> -> memref<1x632x128xf32, #tpu.memory_space<hbm>>
      %dma_start3A_24 = tpu.memref_squeeze %dma_start3A_23 : memref<1x632x128xf32, #tpu.memory_space<hbm>> -> memref<632x128xf32, #tpu.memory_space<hbm>>
      %dma_start3A_25 = arith.constant 0 : i32
      %dma_start3A_26 = tpu.memref_slice %arg10[%mul3A_6, %dma_start3A_25] : memref<10112x128xf32, #tpu.memory_space<vmem_shared>> -> memref<632x128xf32, #tpu.memory_space<vmem_shared>>
      tpu.enqueue_dma source(%dma_start3A_26 : memref<632x128xf32, #tpu.memory_space<vmem_shared>>) target(%dma_start3A_24 : memref<632x128xf32, #tpu.memory_space<hbm>>) target_semaphore(%run_scoped3A : memref<!tpu.dma_semaphore, #tpu.memory_space<semaphore_mem>>)
      %dma_wait3A = arith.constant 0 : i32
      %dma_wait3A_27 = tpu.memref_slice %arg6[%arg0, %mul3A_6, %dma_wait3A] : memref<2x10112x128xf32, #tpu.memory_space<hbm>> -> memref<1x632x128xf32, #tpu.memory_space<hbm>>
      %dma_wait3A_28 = tpu.memref_squeeze %dma_wait3A_27 : memref<1x632x128xf32, #tpu.memory_space<hbm>> -> memref<632x128xf32, #tpu.memory_space<hbm>>
      %dma_wait3A_29 = arith.constant 0 : i32
      %dma_wait3A_30 = tpu.memref_slice %arg10[%mul3A_6, %dma_wait3A_29] : memref<10112x128xf32, #tpu.memory_space<vmem_shared>> -> memref<632x128xf32, #tpu.memory_space<vmem_shared>>
      tpu.wait_dma2 semaphore(%run_scoped3A : memref<!tpu.dma_semaphore, #tpu.memory_space<semaphore_mem>>) src(%dma_wait3A_30 : memref<632x128xf32, #tpu.memory_space<vmem_shared>>) dst(%dma_wait3A_28 : memref<632x128xf32, #tpu.memory_space<hbm>>)
      tpu.yield
    }) : () -> ()
    return
  }
}

#map = affine_map<(d0, d1) -> (0, 0)>
#map1 = affine_map<(d0, d1) -> (0)>
#map2 = affine_map<(d0, d1) -> (0, 0, 0)>
module attributes {stable_mosaic.version = 14 : i64} {
  func.func @_sc_agg_body(%arg0: i32, %arg1: i32, %arg2: memref<10000x128xf32, #tpu.memory_space<hbm>>, %arg3: memref<327680xi32, #tpu.memory_space<hbm>>, %arg4: memref<2560x128xi32, #tpu.memory_space<hbm>>, %arg5: memref<128x128xf32, #tpu.memory_space<hbm>>, %arg6: memref<2x10112x128xf32, #tpu.memory_space<hbm>>, %arg7: memref<10240xi32, #tpu.memory_space<vmem>>, %arg8: memref<80x128xi32, #tpu.memory_space<vmem>>, %arg9: memref<128x128xf32, #tpu.memory_space<vmem>>, %arg10: memref<10112x128xf32, #tpu.memory_space<vmem_shared>>, %arg11: memref<!tpu.dma_semaphore, #tpu.memory_space<semaphore_mem>>) attributes {dimension_semantics = [#tpu.dimension_semantics<core_parallel>, #tpu.dimension_semantics<subcore_parallel>], iteration_bounds = array<i64: 2, 16>, scalar_prefetch = 0 : i64, scratch_operands = 5 : i64, tpu.core_type = #tpu.core_type<sc_vector_subcore>, window_params = [{transform_indices = #map}, {transform_indices = #map1}, {transform_indices = #map}, {transform_indices = #map}, {transform_indices = #map2}]} {
    %mul3A = arith.constant 16 : i32
    %mul3A_0 = arith.muli %arg0, %mul3A : i32
    %add3A = arith.addi %mul3A_0, %arg1 : i32
    %mul3A_1 = arith.constant 10240 : i32
    %mul3A_2 = arith.muli %add3A, %mul3A_1 : i32
    "tpu.region"() ({
      %run_scoped3A = tpu.sem_alloc : memref<!tpu.dma_semaphore, #tpu.memory_space<semaphore_mem>>
      %dma_start3A = tpu.memref_slice %arg3[%mul3A_2] : memref<327680xi32, #tpu.memory_space<hbm>> -> memref<10240xi32, #tpu.memory_space<hbm>>
      %dma_start3A_23 = tpu.memref_slice %arg3[%mul3A_2] : memref<327680xi32, #tpu.memory_space<hbm>> -> memref<10240xi32, #tpu.memory_space<hbm>>
      tpu.enqueue_dma source(%dma_start3A_23 : memref<10240xi32, #tpu.memory_space<hbm>>) target(%arg7 : memref<10240xi32, #tpu.memory_space<vmem>>) target_semaphore(%run_scoped3A : memref<!tpu.dma_semaphore, #tpu.memory_space<semaphore_mem>>)
      %dma_wait3A = tpu.memref_slice %arg3[%mul3A_2] : memref<327680xi32, #tpu.memory_space<hbm>> -> memref<10240xi32, #tpu.memory_space<hbm>>
      %dma_wait3A_24 = tpu.memref_slice %arg3[%mul3A_2] : memref<327680xi32, #tpu.memory_space<hbm>> -> memref<10240xi32, #tpu.memory_space<hbm>>
      tpu.wait_dma2 semaphore(%run_scoped3A : memref<!tpu.dma_semaphore, #tpu.memory_space<semaphore_mem>>) src(%dma_wait3A_24 : memref<10240xi32, #tpu.memory_space<hbm>>) dst(%arg7 : memref<10240xi32, #tpu.memory_space<vmem>>)
      tpu.yield
    }) : () -> ()
    %mul3A_3 = arith.constant 80 : i32
    %mul3A_4 = arith.muli %add3A, %mul3A_3 : i32
    "tpu.region"() ({
      %run_scoped3A = tpu.sem_alloc : memref<!tpu.dma_semaphore, #tpu.memory_space<semaphore_mem>>
      %dma_start3A = arith.constant 0 : i32
      %dma_start3A_23 = tpu.memref_slice %arg4[%mul3A_4, %dma_start3A] : memref<2560x128xi32, #tpu.memory_space<hbm>> -> memref<80x128xi32, #tpu.memory_space<hbm>>
      %dma_start3A_24 = arith.constant 0 : i32
      %dma_start3A_25 = tpu.memref_slice %arg4[%mul3A_4, %dma_start3A_24] : memref<2560x128xi32, #tpu.memory_space<hbm>> -> memref<80x128xi32, #tpu.memory_space<hbm>>
      tpu.enqueue_dma source(%dma_start3A_25 : memref<80x128xi32, #tpu.memory_space<hbm>>) target(%arg8 : memref<80x128xi32, #tpu.memory_space<vmem>>) target_semaphore(%run_scoped3A : memref<!tpu.dma_semaphore, #tpu.memory_space<semaphore_mem>>)
      %dma_wait3A = arith.constant 0 : i32
      %dma_wait3A_26 = tpu.memref_slice %arg4[%mul3A_4, %dma_wait3A] : memref<2560x128xi32, #tpu.memory_space<hbm>> -> memref<80x128xi32, #tpu.memory_space<hbm>>
      %dma_wait3A_27 = arith.constant 0 : i32
      %dma_wait3A_28 = tpu.memref_slice %arg4[%mul3A_4, %dma_wait3A_27] : memref<2560x128xi32, #tpu.memory_space<hbm>> -> memref<80x128xi32, #tpu.memory_space<hbm>>
      tpu.wait_dma2 semaphore(%run_scoped3A : memref<!tpu.dma_semaphore, #tpu.memory_space<semaphore_mem>>) src(%dma_wait3A_28 : memref<80x128xi32, #tpu.memory_space<hbm>>) dst(%arg8 : memref<80x128xi32, #tpu.memory_space<vmem>>)
      tpu.yield
    }) : () -> ()
    "tpu.region"() ({
      %run_scoped3A = tpu.sem_alloc : memref<!tpu.dma_semaphore, #tpu.memory_space<semaphore_mem>>
      tpu.enqueue_dma source(%arg5 : memref<128x128xf32, #tpu.memory_space<hbm>>) target(%arg9 : memref<128x128xf32, #tpu.memory_space<vmem>>) target_semaphore(%run_scoped3A : memref<!tpu.dma_semaphore, #tpu.memory_space<semaphore_mem>>)
      tpu.wait_dma2 semaphore(%run_scoped3A : memref<!tpu.dma_semaphore, #tpu.memory_space<semaphore_mem>>) src(%arg5 : memref<128x128xf32, #tpu.memory_space<hbm>>) dst(%arg9 : memref<128x128xf32, #tpu.memory_space<vmem>>)
      tpu.yield
    }) : () -> ()
    %mul3A_5 = arith.constant 632 : i32
    %mul3A_6 = arith.muli %arg1, %mul3A_5 : i32
    %add3A_7 = arith.constant 0 : i32
    %add3A_8 = arith.addi %mul3A_6, %add3A_7 : i32
    "tpu.region"() ({
      %run_scoped3A = tpu.sem_alloc : memref<!tpu.dma_semaphore, #tpu.memory_space<semaphore_mem>>
      %dma_start3A = arith.constant 0 : i32
      %dma_start3A_23 = tpu.memref_slice %arg10[%add3A_8, %dma_start3A] : memref<10112x128xf32, #tpu.memory_space<vmem_shared>> -> memref<128x128xf32, #tpu.memory_space<vmem_shared>>
      %dma_start3A_24 = arith.constant 0 : i32
      %dma_start3A_25 = tpu.memref_slice %arg10[%add3A_8, %dma_start3A_24] : memref<10112x128xf32, #tpu.memory_space<vmem_shared>> -> memref<128x128xf32, #tpu.memory_space<vmem_shared>>
      tpu.enqueue_dma source(%arg9 : memref<128x128xf32, #tpu.memory_space<vmem>>) target(%dma_start3A_25 : memref<128x128xf32, #tpu.memory_space<vmem_shared>>) target_semaphore(%run_scoped3A : memref<!tpu.dma_semaphore, #tpu.memory_space<semaphore_mem>>)
      %dma_wait3A = arith.constant 0 : i32
      %dma_wait3A_26 = tpu.memref_slice %arg10[%add3A_8, %dma_wait3A] : memref<10112x128xf32, #tpu.memory_space<vmem_shared>> -> memref<128x128xf32, #tpu.memory_space<vmem_shared>>
      %dma_wait3A_27 = arith.constant 0 : i32
      %dma_wait3A_28 = tpu.memref_slice %arg10[%add3A_8, %dma_wait3A_27] : memref<10112x128xf32, #tpu.memory_space<vmem_shared>> -> memref<128x128xf32, #tpu.memory_space<vmem_shared>>
      tpu.wait_dma2 semaphore(%run_scoped3A : memref<!tpu.dma_semaphore, #tpu.memory_space<semaphore_mem>>) src(%arg9 : memref<128x128xf32, #tpu.memory_space<vmem>>) dst(%dma_wait3A_28 : memref<128x128xf32, #tpu.memory_space<vmem_shared>>)
      tpu.yield
    }) : () -> ()
    %add3A_9 = arith.constant 128 : i32
    %add3A_10 = arith.addi %mul3A_6, %add3A_9 : i32
    "tpu.region"() ({
      %run_scoped3A = tpu.sem_alloc : memref<!tpu.dma_semaphore, #tpu.memory_space<semaphore_mem>>
      %dma_start3A = arith.constant 0 : i32
      %dma_start3A_23 = tpu.memref_slice %arg10[%add3A_10, %dma_start3A] : memref<10112x128xf32, #tpu.memory_space<vmem_shared>> -> memref<128x128xf32, #tpu.memory_space<vmem_shared>>
      %dma_start3A_24 = arith.constant 0 : i32
      %dma_start3A_25 = tpu.memref_slice %arg10[%add3A_10, %dma_start3A_24] : memref<10112x128xf32, #tpu.memory_space<vmem_shared>> -> memref<128x128xf32, #tpu.memory_space<vmem_shared>>
      tpu.enqueue_dma source(%arg9 : memref<128x128xf32, #tpu.memory_space<vmem>>) target(%dma_start3A_25 : memref<128x128xf32, #tpu.memory_space<vmem_shared>>) target_semaphore(%run_scoped3A : memref<!tpu.dma_semaphore, #tpu.memory_space<semaphore_mem>>)
      %dma_wait3A = arith.constant 0 : i32
      %dma_wait3A_26 = tpu.memref_slice %arg10[%add3A_10, %dma_wait3A] : memref<10112x128xf32, #tpu.memory_space<vmem_shared>> -> memref<128x128xf32, #tpu.memory_space<vmem_shared>>
      %dma_wait3A_27 = arith.constant 0 : i32
      %dma_wait3A_28 = tpu.memref_slice %arg10[%add3A_10, %dma_wait3A_27] : memref<10112x128xf32, #tpu.memory_space<vmem_shared>> -> memref<128x128xf32, #tpu.memory_space<vmem_shared>>
      tpu.wait_dma2 semaphore(%run_scoped3A : memref<!tpu.dma_semaphore, #tpu.memory_space<semaphore_mem>>) src(%arg9 : memref<128x128xf32, #tpu.memory_space<vmem>>) dst(%dma_wait3A_28 : memref<128x128xf32, #tpu.memory_space<vmem_shared>>)
      tpu.yield
    }) : () -> ()
    %add3A_11 = arith.constant 256 : i32
    %add3A_12 = arith.addi %mul3A_6, %add3A_11 : i32
    "tpu.region"() ({
      %run_scoped3A = tpu.sem_alloc : memref<!tpu.dma_semaphore, #tpu.memory_space<semaphore_mem>>
      %dma_start3A = arith.constant 0 : i32
      %dma_start3A_23 = tpu.memref_slice %arg10[%add3A_12, %dma_start3A] : memref<10112x128xf32, #tpu.memory_space<vmem_shared>> -> memref<128x128xf32, #tpu.memory_space<vmem_shared>>
      %dma_start3A_24 = arith.constant 0 : i32
      %dma_start3A_25 = tpu.memref_slice %arg10[%add3A_12, %dma_start3A_24] : memref<10112x128xf32, #tpu.memory_space<vmem_shared>> -> memref<128x128xf32, #tpu.memory_space<vmem_shared>>
      tpu.enqueue_dma source(%arg9 : memref<128x128xf32, #tpu.memory_space<vmem>>) target(%dma_start3A_25 : memref<128x128xf32, #tpu.memory_space<vmem_shared>>) target_semaphore(%run_scoped3A : memref<!tpu.dma_semaphore, #tpu.memory_space<semaphore_mem>>)
      %dma_wait3A = arith.constant 0 : i32
      %dma_wait3A_26 = tpu.memref_slice %arg10[%add3A_12, %dma_wait3A] : memref<10112x128xf32, #tpu.memory_space<vmem_shared>> -> memref<128x128xf32, #tpu.memory_space<vmem_shared>>
      %dma_wait3A_27 = arith.constant 0 : i32
      %dma_wait3A_28 = tpu.memref_slice %arg10[%add3A_12, %dma_wait3A_27] : memref<10112x128xf32, #tpu.memory_space<vmem_shared>> -> memref<128x128xf32, #tpu.memory_space<vmem_shared>>
      tpu.wait_dma2 semaphore(%run_scoped3A : memref<!tpu.dma_semaphore, #tpu.memory_space<semaphore_mem>>) src(%arg9 : memref<128x128xf32, #tpu.memory_space<vmem>>) dst(%dma_wait3A_28 : memref<128x128xf32, #tpu.memory_space<vmem_shared>>)
      tpu.yield
    }) : () -> ()
    %add3A_13 = arith.constant 384 : i32
    %add3A_14 = arith.addi %mul3A_6, %add3A_13 : i32
    "tpu.region"() ({
      %run_scoped3A = tpu.sem_alloc : memref<!tpu.dma_semaphore, #tpu.memory_space<semaphore_mem>>
      %dma_start3A = arith.constant 0 : i32
      %dma_start3A_23 = tpu.memref_slice %arg10[%add3A_14, %dma_start3A] : memref<10112x128xf32, #tpu.memory_space<vmem_shared>> -> memref<128x128xf32, #tpu.memory_space<vmem_shared>>
      %dma_start3A_24 = arith.constant 0 : i32
      %dma_start3A_25 = tpu.memref_slice %arg10[%add3A_14, %dma_start3A_24] : memref<10112x128xf32, #tpu.memory_space<vmem_shared>> -> memref<128x128xf32, #tpu.memory_space<vmem_shared>>
      tpu.enqueue_dma source(%arg9 : memref<128x128xf32, #tpu.memory_space<vmem>>) target(%dma_start3A_25 : memref<128x128xf32, #tpu.memory_space<vmem_shared>>) target_semaphore(%run_scoped3A : memref<!tpu.dma_semaphore, #tpu.memory_space<semaphore_mem>>)
      %dma_wait3A = arith.constant 0 : i32
      %dma_wait3A_26 = tpu.memref_slice %arg10[%add3A_14, %dma_wait3A] : memref<10112x128xf32, #tpu.memory_space<vmem_shared>> -> memref<128x128xf32, #tpu.memory_space<vmem_shared>>
      %dma_wait3A_27 = arith.constant 0 : i32
      %dma_wait3A_28 = tpu.memref_slice %arg10[%add3A_14, %dma_wait3A_27] : memref<10112x128xf32, #tpu.memory_space<vmem_shared>> -> memref<128x128xf32, #tpu.memory_space<vmem_shared>>
      tpu.wait_dma2 semaphore(%run_scoped3A : memref<!tpu.dma_semaphore, #tpu.memory_space<semaphore_mem>>) src(%arg9 : memref<128x128xf32, #tpu.memory_space<vmem>>) dst(%dma_wait3A_28 : memref<128x128xf32, #tpu.memory_space<vmem_shared>>)
      tpu.yield
    }) : () -> ()
    %add3A_15 = arith.constant 512 : i32
    %add3A_16 = arith.addi %mul3A_6, %add3A_15 : i32
    "tpu.region"() ({
      %run_scoped3A = tpu.sem_alloc : memref<!tpu.dma_semaphore, #tpu.memory_space<semaphore_mem>>
      %dma_start3A = arith.constant 0 : i32
      %dma_start3A_23 = arith.constant 0 : i32
      %dma_start3A_24 = tpu.memref_slice %arg9[%dma_start3A, %dma_start3A_23] : memref<128x128xf32, #tpu.memory_space<vmem>> -> memref<120x128xf32, #tpu.memory_space<vmem>>
      %dma_start3A_25 = arith.constant 0 : i32
      %dma_start3A_26 = tpu.memref_slice %arg10[%add3A_16, %dma_start3A_25] : memref<10112x128xf32, #tpu.memory_space<vmem_shared>> -> memref<120x128xf32, #tpu.memory_space<vmem_shared>>
      %dma_start3A_27 = arith.constant 0 : i32
      %dma_start3A_28 = tpu.memref_slice %arg10[%add3A_16, %dma_start3A_27] : memref<10112x128xf32, #tpu.memory_space<vmem_shared>> -> memref<120x128xf32, #tpu.memory_space<vmem_shared>>
      %dma_start3A_29 = arith.constant 0 : i32
      %dma_start3A_30 = arith.constant 0 : i32
      %dma_start3A_31 = tpu.memref_slice %arg9[%dma_start3A_29, %dma_start3A_30] : memref<128x128xf32, #tpu.memory_space<vmem>> -> memref<120x128xf32, #tpu.memory_space<vmem>>
      tpu.enqueue_dma source(%dma_start3A_31 : memref<120x128xf32, #tpu.memory_space<vmem>>) target(%dma_start3A_28 : memref<120x128xf32, #tpu.memory_space<vmem_shared>>) target_semaphore(%run_scoped3A : memref<!tpu.dma_semaphore, #tpu.memory_space<semaphore_mem>>)
      %dma_wait3A = arith.constant 0 : i32
      %dma_wait3A_32 = arith.constant 0 : i32
      %dma_wait3A_33 = tpu.memref_slice %arg9[%dma_wait3A, %dma_wait3A_32] : memref<128x128xf32, #tpu.memory_space<vmem>> -> memref<120x128xf32, #tpu.memory_space<vmem>>
      %dma_wait3A_34 = arith.constant 0 : i32
      %dma_wait3A_35 = tpu.memref_slice %arg10[%add3A_16, %dma_wait3A_34] : memref<10112x128xf32, #tpu.memory_space<vmem_shared>> -> memref<120x128xf32, #tpu.memory_space<vmem_shared>>
      %dma_wait3A_36 = arith.constant 0 : i32
      %dma_wait3A_37 = tpu.memref_slice %arg10[%add3A_16, %dma_wait3A_36] : memref<10112x128xf32, #tpu.memory_space<vmem_shared>> -> memref<120x128xf32, #tpu.memory_space<vmem_shared>>
      %dma_wait3A_38 = arith.constant 0 : i32
      %dma_wait3A_39 = arith.constant 0 : i32
      %dma_wait3A_40 = tpu.memref_slice %arg9[%dma_wait3A_38, %dma_wait3A_39] : memref<128x128xf32, #tpu.memory_space<vmem>> -> memref<120x128xf32, #tpu.memory_space<vmem>>
      tpu.wait_dma2 semaphore(%run_scoped3A : memref<!tpu.dma_semaphore, #tpu.memory_space<semaphore_mem>>) src(%dma_wait3A_40 : memref<120x128xf32, #tpu.memory_space<vmem>>) dst(%dma_wait3A_37 : memref<120x128xf32, #tpu.memory_space<vmem_shared>>)
      tpu.yield
    }) : () -> ()
    %barrier3A = arith.constant 0 : index
    tpu.barrier barrier_id(%barrier3A)
    %scan3A = arith.constant 0 : i32
    %scan3A_17 = arith.constant 0 : i32
    %scan3A_18 = arith.constant 80 : i32
    %scan3A_19 = arith.addi %scan3A_17, %scan3A_18 : i32
    %scan3A_20 = arith.constant 1 : i32
    scf.for %scan3A_23 = %scan3A_17 to %scan3A_19 step %scan3A_20  : i32 {
      %mul3A_24 = arith.constant 128 : i32
      %mul3A_25 = arith.muli %scan3A_23, %mul3A_24 : i32
      %dma_start3A = tpu.memref_slice %arg7[%mul3A_25] : memref<10240xi32, #tpu.memory_space<vmem>> -> memref<128xi32, #tpu.memory_space<vmem>>
      %dma_start3A_26 = arith.constant 0 : i32
      %dma_start3A_27 = arith.constant 0 : i32
      %dma_start3A_28 = tpu.memref_slice %arg2[%dma_start3A_26, %dma_start3A_27] : memref<10000x128xf32, #tpu.memory_space<hbm>> -> memref<10000x128xf32, #tpu.memory_space<hbm>>
      tpu.enqueue_indirect_dma source(%dma_start3A_28 : memref<10000x128xf32, #tpu.memory_space<hbm>>) target(%arg9 : memref<128x128xf32, #tpu.memory_space<vmem>>) offsets(%dma_start3A : memref<128xi32, #tpu.memory_space<vmem>>) semaphore(%arg11 : memref<!tpu.dma_semaphore, #tpu.memory_space<semaphore_mem>>)
      %dma_wait3A = tpu.memref_slice %arg7[%mul3A_25] : memref<10240xi32, #tpu.memory_space<vmem>> -> memref<128xi32, #tpu.memory_space<vmem>>
      %dma_wait3A_29 = arith.constant 0 : i32
      %dma_wait3A_30 = arith.constant 0 : i32
      %dma_wait3A_31 = tpu.memref_slice %arg2[%dma_wait3A_29, %dma_wait3A_30] : memref<10000x128xf32, #tpu.memory_space<hbm>> -> memref<10000x128xf32, #tpu.memory_space<hbm>>
      tpu.wait_indirect_dma semaphore(%arg11 : memref<!tpu.dma_semaphore, #tpu.memory_space<semaphore_mem>>) src(%dma_wait3A_31 : memref<10000x128xf32, #tpu.memory_space<hbm>>) dst(%arg9 : memref<128x128xf32, #tpu.memory_space<vmem>>)
      "tpu.region"() ({
        %run_scoped3A = tpu.sem_alloc : memref<!tpu.dma_semaphore, #tpu.memory_space<semaphore_mem>>
        %dma_start3A_32 = arith.constant 0 : i32
        %dma_start3A_33 = tpu.memref_slice %arg8[%scan3A_23, %dma_start3A_32] : memref<80x128xi32, #tpu.memory_space<vmem>> -> memref<1x128xi32, #tpu.memory_space<vmem>>
        %dma_start3A_34 = tpu.memref_squeeze %dma_start3A_33 : memref<1x128xi32, #tpu.memory_space<vmem>> -> memref<128xi32, #tpu.memory_space<vmem>>
        %dma_start3A_35 = arith.constant 0 : i32
        %dma_start3A_36 = arith.constant 0 : i32
        %dma_start3A_37 = tpu.memref_slice %arg10[%dma_start3A_35, %dma_start3A_36] : memref<10112x128xf32, #tpu.memory_space<vmem_shared>> -> memref<10112x128xf32, #tpu.memory_space<vmem_shared>>
        tpu.enqueue_indirect_dma source(%arg9 : memref<128x128xf32, #tpu.memory_space<vmem>>) target(%dma_start3A_37 : memref<10112x128xf32, #tpu.memory_space<vmem_shared>>) offsets(%dma_start3A_34 : memref<128xi32, #tpu.memory_space<vmem>>) semaphore(%run_scoped3A : memref<!tpu.dma_semaphore, #tpu.memory_space<semaphore_mem>>) {add = true}
        %dma_wait3A_38 = arith.constant 0 : i32
        %dma_wait3A_39 = tpu.memref_slice %arg8[%scan3A_23, %dma_wait3A_38] : memref<80x128xi32, #tpu.memory_space<vmem>> -> memref<1x128xi32, #tpu.memory_space<vmem>>
        %dma_wait3A_40 = tpu.memref_squeeze %dma_wait3A_39 : memref<1x128xi32, #tpu.memory_space<vmem>> -> memref<128xi32, #tpu.memory_space<vmem>>
        %dma_wait3A_41 = arith.constant 0 : i32
        %dma_wait3A_42 = arith.constant 0 : i32
        %dma_wait3A_43 = tpu.memref_slice %arg10[%dma_wait3A_41, %dma_wait3A_42] : memref<10112x128xf32, #tpu.memory_space<vmem_shared>> -> memref<10112x128xf32, #tpu.memory_space<vmem_shared>>
        tpu.wait_indirect_dma semaphore(%run_scoped3A : memref<!tpu.dma_semaphore, #tpu.memory_space<semaphore_mem>>) src(%arg9 : memref<128x128xf32, #tpu.memory_space<vmem>>) dst(%dma_wait3A_43 : memref<10112x128xf32, #tpu.memory_space<vmem_shared>>)
        tpu.yield
      }) : () -> ()
    }
    %scan3A_21 = arith.constant 80 : i32
    %barrier3A_22 = arith.constant 0 : index
    tpu.barrier barrier_id(%barrier3A_22)
    "tpu.region"() ({
      %run_scoped3A = tpu.sem_alloc : memref<!tpu.dma_semaphore, #tpu.memory_space<semaphore_mem>>
      %dma_start3A = arith.constant 0 : i32
      %dma_start3A_23 = tpu.memref_slice %arg6[%arg0, %mul3A_6, %dma_start3A] : memref<2x10112x128xf32, #tpu.memory_space<hbm>> -> memref<1x632x128xf32, #tpu.memory_space<hbm>>
      %dma_start3A_24 = tpu.memref_squeeze %dma_start3A_23 : memref<1x632x128xf32, #tpu.memory_space<hbm>> -> memref<632x128xf32, #tpu.memory_space<hbm>>
      %dma_start3A_25 = arith.constant 0 : i32
      %dma_start3A_26 = tpu.memref_slice %arg10[%mul3A_6, %dma_start3A_25] : memref<10112x128xf32, #tpu.memory_space<vmem_shared>> -> memref<632x128xf32, #tpu.memory_space<vmem_shared>>
      tpu.enqueue_dma source(%dma_start3A_26 : memref<632x128xf32, #tpu.memory_space<vmem_shared>>) target(%dma_start3A_24 : memref<632x128xf32, #tpu.memory_space<hbm>>) target_semaphore(%run_scoped3A : memref<!tpu.dma_semaphore, #tpu.memory_space<semaphore_mem>>)
      %dma_wait3A = arith.constant 0 : i32
      %dma_wait3A_27 = tpu.memref_slice %arg6[%arg0, %mul3A_6, %dma_wait3A] : memref<2x10112x128xf32, #tpu.memory_space<hbm>> -> memref<1x632x128xf32, #tpu.memory_space<hbm>>
      %dma_wait3A_28 = tpu.memref_squeeze %dma_wait3A_27 : memref<1x632x128xf32, #tpu.memory_space<hbm>> -> memref<632x128xf32, #tpu.memory_space<hbm>>
      %dma_wait3A_29 = arith.constant 0 : i32
      %dma_wait3A_30 = tpu.memref_slice %arg10[%mul3A_6, %dma_wait3A_29] : memref<10112x128xf32, #tpu.memory_space<vmem_shared>> -> memref<632x128xf32, #tpu.memory_space<vmem_shared>>
      tpu.wait_dma2 semaphore(%run_scoped3A : memref<!tpu.dma_semaphore, #tpu.memory_space<semaphore_mem>>) src(%dma_wait3A_30 : memref<632x128xf32, #tpu.memory_space<vmem_shared>>) dst(%dma_wait3A_28 : memref<632x128xf32, #tpu.memory_space<hbm>>)
      tpu.yield
    }) : () -> ()
    return
  }
}

module attributes {stable_mosaic.version = 14 : i64} {
  func.func @_tc_transform_body(%arg0: memref<10000x128xf32, #tpu.memory_space<vmem>>, %arg1: memref<128x128xf32, #tpu.memory_space<vmem>>, %arg2: memref<1x128xf32, #tpu.memory_space<vmem>>, %arg3: memref<1x128xf32, #tpu.memory_space<vmem>>, %arg4: memref<1x128xf32, #tpu.memory_space<vmem>>, %arg5: memref<10000x128xf32, #tpu.memory_space<vmem>>) attributes {dimension_semantics = [], scalar_prefetch = 0 : i64, scratch_operands = 0 : i64, tpu.core_type = #tpu.core_type<tc>} {
    %get3A = arith.constant 0 : index
    %get3A_0 = arith.constant 0 : index
    %get3A_1 = vector.load %arg0[%get3A, %get3A_0] : memref<10000x128xf32, #tpu.memory_space<vmem>>, vector<10000x128xf32>
    %get3A_2 = arith.constant 0 : index
    %get3A_3 = arith.constant 0 : index
    %get3A_4 = vector.load %arg1[%get3A_2, %get3A_3] : memref<128x128xf32, #tpu.memory_space<vmem>>, vector<128x128xf32>
    %dot_general3A = arith.constant dense<0.000000e+00> : vector<10000x128xf32>
    %dot_general3A_5 = tpu.matmul %get3A_1, %get3A_4, %dot_general3A {dimension_numbers = #tpu.dot_dimension_numbers<[1], [0], [0], [1], [0, 0, 1, 1], [], []>, transpose_lhs_hint = false} : vector<10000x128xf32>, vector<128x128xf32>, vector<10000x128xf32> -> vector<10000x128xf32>
    %get3A_6 = arith.constant 0 : index
    %get3A_7 = arith.constant 0 : index
    %get3A_8 = vector.load %arg2[%get3A_6, %get3A_7] : memref<1x128xf32, #tpu.memory_space<vmem>>, vector<1x128xf32>
    %add3A = vector.broadcast %get3A_8 : vector<1x128xf32> to vector<10000x128xf32>
    %add3A_9 = arith.addf %dot_general3A_5, %add3A : vector<10000x128xf32>
    %reduce_sum3A = arith.constant dense<0.000000e+00> : vector<128xf32>
    %reduce_sum3A_10 = vector.multi_reduction <add>, %add3A_9, %reduce_sum3A [0] : vector<10000x128xf32> to vector<128xf32>
    %broadcast_in_dim3A = vector.shape_cast %reduce_sum3A_10 : vector<128xf32> to vector<1x128xf32>
    %div3A = arith.constant 1.000000e+04 : f32
    %div3A_11 = vector.broadcast %div3A : f32 to vector<1x128xf32>
    %div3A_12 = arith.divf %broadcast_in_dim3A, %div3A_11 : vector<1x128xf32>
    %sub3A = vector.broadcast %div3A_12 : vector<1x128xf32> to vector<10000x128xf32>
    %sub3A_13 = arith.subf %add3A_9, %sub3A : vector<10000x128xf32>
    %mul3A = arith.mulf %sub3A_13, %sub3A_13 : vector<10000x128xf32>
    %reduce_sum3A_14 = arith.constant dense<0.000000e+00> : vector<128xf32>
    %reduce_sum3A_15 = vector.multi_reduction <add>, %mul3A, %reduce_sum3A_14 [0] : vector<10000x128xf32> to vector<128xf32>
    %broadcast_in_dim3A_16 = vector.shape_cast %reduce_sum3A_15 : vector<128xf32> to vector<1x128xf32>
    %div3A_17 = arith.constant 1.000000e+04 : f32
    %div3A_18 = vector.broadcast %div3A_17 : f32 to vector<1x128xf32>
    %div3A_19 = arith.divf %broadcast_in_dim3A_16, %div3A_18 : vector<1x128xf32>
    %add3A_20 = arith.constant 9.99999974E-6 : f32
    %add3A_21 = vector.broadcast %add3A_20 : f32 to vector<1x128xf32>
    %add3A_22 = arith.addf %div3A_19, %add3A_21 : vector<1x128xf32>
    %rsqrt3A = math.rsqrt %add3A_22 : vector<1x128xf32>
    %mul3A_23 = vector.broadcast %rsqrt3A : vector<1x128xf32> to vector<10000x128xf32>
    %mul3A_24 = arith.mulf %sub3A_13, %mul3A_23 : vector<10000x128xf32>
    %get3A_25 = arith.constant 0 : index
    %get3A_26 = arith.constant 0 : index
    %get3A_27 = vector.load %arg3[%get3A_25, %get3A_26] : memref<1x128xf32, #tpu.memory_space<vmem>>, vector<1x128xf32>
    %mul3A_28 = vector.broadcast %get3A_27 : vector<1x128xf32> to vector<10000x128xf32>
    %mul3A_29 = arith.mulf %mul3A_24, %mul3A_28 : vector<10000x128xf32>
    %get3A_30 = arith.constant 0 : index
    %get3A_31 = arith.constant 0 : index
    %get3A_32 = vector.load %arg4[%get3A_30, %get3A_31] : memref<1x128xf32, #tpu.memory_space<vmem>>, vector<1x128xf32>
    %add3A_33 = vector.broadcast %get3A_32 : vector<1x128xf32> to vector<10000x128xf32>
    %add3A_34 = arith.addf %mul3A_29, %add3A_33 : vector<10000x128xf32>
    %swap3A = arith.constant 0 : index
    %swap3A_35 = arith.constant 0 : index
    %swap3A_36 = vector.load %arg5[%swap3A, %swap3A_35] : memref<10000x128xf32, #tpu.memory_space<vmem>>, vector<10000x128xf32>
    tpu.vector_store %arg5[%swap3A, %swap3A_35], %add3A_34 {strides = array<i32>} : memref<10000x128xf32, #tpu.memory_space<vmem>>, vector<10000x128xf32>,
    return
  }
}

module attributes {stable_mosaic.version = 14 : i64} {
  func.func @_tc_layer_body(%arg0: memref<10000x128xf32, #tpu.memory_space<vmem>>, %arg1: memref<2x10112x128xf32, #tpu.memory_space<vmem>>, %arg2: memref<128x128xf32, #tpu.memory_space<vmem>>, %arg3: memref<128x128xf32, #tpu.memory_space<vmem>>, %arg4: memref<1x128xf32, #tpu.memory_space<vmem>>, %arg5: memref<1x128xf32, #tpu.memory_space<vmem>>, %arg6: memref<10000x128xf32, #tpu.memory_space<vmem>>) attributes {dimension_semantics = [], scalar_prefetch = 0 : i64, scratch_operands = 0 : i64, tpu.core_type = #tpu.core_type<tc>} {
    %get3A = arith.constant 0 : index
    %get3A_0 = arith.constant 0 : index
    %get3A_1 = arith.constant 0 : index
    %get3A_2 = vector.load %arg1[%get3A, %get3A_0, %get3A_1] : memref<2x10112x128xf32, #tpu.memory_space<vmem>>, vector<1x10000x128xf32>
    %get3A_3 = vector.shape_cast %get3A_2 : vector<1x10000x128xf32> to vector<10000x128xf32>
    %get3A_4 = arith.constant 1 : index
    %get3A_5 = arith.constant 0 : index
    %get3A_6 = arith.constant 0 : index
    %get3A_7 = vector.load %arg1[%get3A_4, %get3A_5, %get3A_6] : memref<2x10112x128xf32, #tpu.memory_space<vmem>>, vector<1x10000x128xf32>
    %get3A_8 = vector.shape_cast %get3A_7 : vector<1x10000x128xf32> to vector<10000x128xf32>
    %add3A = arith.addf %get3A_3, %get3A_8 : vector<10000x128xf32>
    %get3A_9 = arith.constant 0 : index
    %get3A_10 = arith.constant 0 : index
    %get3A_11 = vector.load %arg0[%get3A_9, %get3A_10] : memref<10000x128xf32, #tpu.memory_space<vmem>>, vector<10000x128xf32>
    %add3A_12 = arith.addf %get3A_11, %add3A : vector<10000x128xf32>
    %get3A_13 = arith.constant 0 : index
    %get3A_14 = arith.constant 0 : index
    %get3A_15 = vector.load %arg2[%get3A_13, %get3A_14] : memref<128x128xf32, #tpu.memory_space<vmem>>, vector<128x128xf32>
    %dot_general3A = arith.constant dense<0.000000e+00> : vector<10000x128xf32>
    %dot_general3A_16 = tpu.matmul %add3A_12, %get3A_15, %dot_general3A {dimension_numbers = #tpu.dot_dimension_numbers<[1], [0], [0], [1], [0, 0, 1, 1], [], []>, transpose_lhs_hint = false} : vector<10000x128xf32>, vector<128x128xf32>, vector<10000x128xf32> -> vector<10000x128xf32>
    %max3A = arith.constant 0.000000e+00 : f32
    %max3A_17 = vector.broadcast %max3A : f32 to vector<10000x128xf32>
    %max3A_18 = arith.maximumf %dot_general3A_16, %max3A_17 : vector<10000x128xf32>
    %get3A_19 = arith.constant 0 : index
    %get3A_20 = arith.constant 0 : index
    %get3A_21 = vector.load %arg3[%get3A_19, %get3A_20] : memref<128x128xf32, #tpu.memory_space<vmem>>, vector<128x128xf32>
    %dot_general3A_22 = arith.constant dense<0.000000e+00> : vector<10000x128xf32>
    %dot_general3A_23 = tpu.matmul %max3A_18, %get3A_21, %dot_general3A_22 {dimension_numbers = #tpu.dot_dimension_numbers<[1], [0], [0], [1], [0, 0, 1, 1], [], []>, transpose_lhs_hint = false} : vector<10000x128xf32>, vector<128x128xf32>, vector<10000x128xf32> -> vector<10000x128xf32>
    %max3A_24 = arith.constant 0.000000e+00 : f32
    %max3A_25 = vector.broadcast %max3A_24 : f32 to vector<10000x128xf32>
    %max3A_26 = arith.maximumf %dot_general3A_23, %max3A_25 : vector<10000x128xf32>
    %reduce_sum3A = arith.constant dense<0.000000e+00> : vector<128xf32>
    %reduce_sum3A_27 = vector.multi_reduction <add>, %max3A_26, %reduce_sum3A [0] : vector<10000x128xf32> to vector<128xf32>
    %broadcast_in_dim3A = vector.shape_cast %reduce_sum3A_27 : vector<128xf32> to vector<1x128xf32>
    %div3A = arith.constant 1.000000e+04 : f32
    %div3A_28 = vector.broadcast %div3A : f32 to vector<1x128xf32>
    %div3A_29 = arith.divf %broadcast_in_dim3A, %div3A_28 : vector<1x128xf32>
    %sub3A = vector.broadcast %div3A_29 : vector<1x128xf32> to vector<10000x128xf32>
    %sub3A_30 = arith.subf %max3A_26, %sub3A : vector<10000x128xf32>
    %mul3A = arith.mulf %sub3A_30, %sub3A_30 : vector<10000x128xf32>
    %reduce_sum3A_31 = arith.constant dense<0.000000e+00> : vector<128xf32>
    %reduce_sum3A_32 = vector.multi_reduction <add>, %mul3A, %reduce_sum3A_31 [0] : vector<10000x128xf32> to vector<128xf32>
    %broadcast_in_dim3A_33 = vector.shape_cast %reduce_sum3A_32 : vector<128xf32> to vector<1x128xf32>
    %div3A_34 = arith.constant 1.000000e+04 : f32
    %div3A_35 = vector.broadcast %div3A_34 : f32 to vector<1x128xf32>
    %div3A_36 = arith.divf %broadcast_in_dim3A_33, %div3A_35 : vector<1x128xf32>
    %add3A_37 = arith.constant 9.99999974E-6 : f32
    %add3A_38 = vector.broadcast %add3A_37 : f32 to vector<1x128xf32>
    %add3A_39 = arith.addf %div3A_36, %add3A_38 : vector<1x128xf32>
    %rsqrt3A = math.rsqrt %add3A_39 : vector<1x128xf32>
    %mul3A_40 = vector.broadcast %rsqrt3A : vector<1x128xf32> to vector<10000x128xf32>
    %mul3A_41 = arith.mulf %sub3A_30, %mul3A_40 : vector<10000x128xf32>
    %get3A_42 = arith.constant 0 : index
    %get3A_43 = arith.constant 0 : index
    %get3A_44 = vector.load %arg4[%get3A_42, %get3A_43] : memref<1x128xf32, #tpu.memory_space<vmem>>, vector<1x128xf32>
    %mul3A_45 = vector.broadcast %get3A_44 : vector<1x128xf32> to vector<10000x128xf32>
    %mul3A_46 = arith.mulf %mul3A_41, %mul3A_45 : vector<10000x128xf32>
    %get3A_47 = arith.constant 0 : index
    %get3A_48 = arith.constant 0 : index
    %get3A_49 = vector.load %arg5[%get3A_47, %get3A_48] : memref<1x128xf32, #tpu.memory_space<vmem>>, vector<1x128xf32>
    %add3A_50 = vector.broadcast %get3A_49 : vector<1x128xf32> to vector<10000x128xf32>
    %add3A_51 = arith.addf %mul3A_46, %add3A_50 : vector<10000x128xf32>
    %swap3A = arith.constant 0 : index
    %swap3A_52 = arith.constant 0 : index
    %swap3A_53 = vector.load %arg6[%swap3A, %swap3A_52] : memref<10000x128xf32, #tpu.memory_space<vmem>>, vector<10000x128xf32>
    tpu.vector_store %arg6[%swap3A, %swap3A_52], %add3A_51 {strides = array<i32>} : memref<10000x128xf32, #tpu.memory_space<vmem>>, vector<10000x128xf32>,
    return
  }
}

module attributes {stable_mosaic.version = 14 : i64} {
  func.func @_tc_layer_body(%arg0: memref<10000x128xf32, #tpu.memory_space<vmem>>, %arg1: memref<2x10112x128xf32, #tpu.memory_space<vmem>>, %arg2: memref<128x128xf32, #tpu.memory_space<vmem>>, %arg3: memref<128x128xf32, #tpu.memory_space<vmem>>, %arg4: memref<1x128xf32, #tpu.memory_space<vmem>>, %arg5: memref<1x128xf32, #tpu.memory_space<vmem>>, %arg6: memref<10000x128xf32, #tpu.memory_space<vmem>>) attributes {dimension_semantics = [], scalar_prefetch = 0 : i64, scratch_operands = 0 : i64, tpu.core_type = #tpu.core_type<tc>} {
    %get3A = arith.constant 0 : index
    %get3A_0 = arith.constant 0 : index
    %get3A_1 = arith.constant 0 : index
    %get3A_2 = vector.load %arg1[%get3A, %get3A_0, %get3A_1] : memref<2x10112x128xf32, #tpu.memory_space<vmem>>, vector<1x10000x128xf32>
    %get3A_3 = vector.shape_cast %get3A_2 : vector<1x10000x128xf32> to vector<10000x128xf32>
    %get3A_4 = arith.constant 1 : index
    %get3A_5 = arith.constant 0 : index
    %get3A_6 = arith.constant 0 : index
    %get3A_7 = vector.load %arg1[%get3A_4, %get3A_5, %get3A_6] : memref<2x10112x128xf32, #tpu.memory_space<vmem>>, vector<1x10000x128xf32>
    %get3A_8 = vector.shape_cast %get3A_7 : vector<1x10000x128xf32> to vector<10000x128xf32>
    %add3A = arith.addf %get3A_3, %get3A_8 : vector<10000x128xf32>
    %get3A_9 = arith.constant 0 : index
    %get3A_10 = arith.constant 0 : index
    %get3A_11 = vector.load %arg0[%get3A_9, %get3A_10] : memref<10000x128xf32, #tpu.memory_space<vmem>>, vector<10000x128xf32>
    %add3A_12 = arith.addf %get3A_11, %add3A : vector<10000x128xf32>
    %get3A_13 = arith.constant 0 : index
    %get3A_14 = arith.constant 0 : index
    %get3A_15 = vector.load %arg2[%get3A_13, %get3A_14] : memref<128x128xf32, #tpu.memory_space<vmem>>, vector<128x128xf32>
    %dot_general3A = arith.constant dense<0.000000e+00> : vector<10000x128xf32>
    %dot_general3A_16 = tpu.matmul %add3A_12, %get3A_15, %dot_general3A {dimension_numbers = #tpu.dot_dimension_numbers<[1], [0], [0], [1], [0, 0, 1, 1], [], []>, transpose_lhs_hint = false} : vector<10000x128xf32>, vector<128x128xf32>, vector<10000x128xf32> -> vector<10000x128xf32>
    %max3A = arith.constant 0.000000e+00 : f32
    %max3A_17 = vector.broadcast %max3A : f32 to vector<10000x128xf32>
    %max3A_18 = arith.maximumf %dot_general3A_16, %max3A_17 : vector<10000x128xf32>
    %get3A_19 = arith.constant 0 : index
    %get3A_20 = arith.constant 0 : index
    %get3A_21 = vector.load %arg3[%get3A_19, %get3A_20] : memref<128x128xf32, #tpu.memory_space<vmem>>, vector<128x128xf32>
    %dot_general3A_22 = arith.constant dense<0.000000e+00> : vector<10000x128xf32>
    %dot_general3A_23 = tpu.matmul %max3A_18, %get3A_21, %dot_general3A_22 {dimension_numbers = #tpu.dot_dimension_numbers<[1], [0], [0], [1], [0, 0, 1, 1], [], []>, transpose_lhs_hint = false} : vector<10000x128xf32>, vector<128x128xf32>, vector<10000x128xf32> -> vector<10000x128xf32>
    %max3A_24 = arith.constant 0.000000e+00 : f32
    %max3A_25 = vector.broadcast %max3A_24 : f32 to vector<10000x128xf32>
    %max3A_26 = arith.maximumf %dot_general3A_23, %max3A_25 : vector<10000x128xf32>
    %reduce_sum3A = arith.constant dense<0.000000e+00> : vector<128xf32>
    %reduce_sum3A_27 = vector.multi_reduction <add>, %max3A_26, %reduce_sum3A [0] : vector<10000x128xf32> to vector<128xf32>
    %broadcast_in_dim3A = vector.shape_cast %reduce_sum3A_27 : vector<128xf32> to vector<1x128xf32>
    %div3A = arith.constant 1.000000e+04 : f32
    %div3A_28 = vector.broadcast %div3A : f32 to vector<1x128xf32>
    %div3A_29 = arith.divf %broadcast_in_dim3A, %div3A_28 : vector<1x128xf32>
    %sub3A = vector.broadcast %div3A_29 : vector<1x128xf32> to vector<10000x128xf32>
    %sub3A_30 = arith.subf %max3A_26, %sub3A : vector<10000x128xf32>
    %mul3A = arith.mulf %sub3A_30, %sub3A_30 : vector<10000x128xf32>
    %reduce_sum3A_31 = arith.constant dense<0.000000e+00> : vector<128xf32>
    %reduce_sum3A_32 = vector.multi_reduction <add>, %mul3A, %reduce_sum3A_31 [0] : vector<10000x128xf32> to vector<128xf32>
    %broadcast_in_dim3A_33 = vector.shape_cast %reduce_sum3A_32 : vector<128xf32> to vector<1x128xf32>
    %div3A_34 = arith.constant 1.000000e+04 : f32
    %div3A_35 = vector.broadcast %div3A_34 : f32 to vector<1x128xf32>
    %div3A_36 = arith.divf %broadcast_in_dim3A_33, %div3A_35 : vector<1x128xf32>
    %add3A_37 = arith.constant 9.99999974E-6 : f32
    %add3A_38 = vector.broadcast %add3A_37 : f32 to vector<1x128xf32>
    %add3A_39 = arith.addf %div3A_36, %add3A_38 : vector<1x128xf32>
    %rsqrt3A = math.rsqrt %add3A_39 : vector<1x128xf32>
    %mul3A_40 = vector.broadcast %rsqrt3A : vector<1x128xf32> to vector<10000x128xf32>
    %mul3A_41 = arith.mulf %sub3A_30, %mul3A_40 : vector<10000x128xf32>
    %get3A_42 = arith.constant 0 : index
    %get3A_43 = arith.constant 0 : index
    %get3A_44 = vector.load %arg4[%get3A_42, %get3A_43] : memref<1x128xf32, #tpu.memory_space<vmem>>, vector<1x128xf32>
    %mul3A_45 = vector.broadcast %get3A_44 : vector<1x128xf32> to vector<10000x128xf32>
    %mul3A_46 = arith.mulf %mul3A_41, %mul3A_45 : vector<10000x128xf32>
    %get3A_47 = arith.constant 0 : index
    %get3A_48 = arith.constant 0 : index
    %get3A_49 = vector.load %arg5[%get3A_47, %get3A_48] : memref<1x128xf32, #tpu.memory_space<vmem>>, vector<1x128xf32>
    %add3A_50 = vector.broadcast %get3A_49 : vector<1x128xf32> to vector<10000x128xf32>
    %add3A_51 = arith.addf %mul3A_46, %add3A_50 : vector<10000x128xf32>
    %swap3A = arith.constant 0 : index
    %swap3A_52 = arith.constant 0 : index
    %swap3A_53 = vector.load %arg6[%swap3A, %swap3A_52] : memref<10000x128xf32, #tpu.memory_space<vmem>>, vector<10000x128xf32>
    tpu.vector_store %arg6[%swap3A, %swap3A_52], %add3A_51 {strides = array<i32>} : memref<10000x128xf32, #tpu.memory_space<vmem>>, vector<10000x128xf32>,
    return
  }
}

</mosaic_0001>

<sc_bundles>
// kernel: kernel.12.cloned.1.call-start
scs
__scs_entry_jumppad:
0x0: {  	(pc) =	sbr.rel $0x88, $3  }
0x1: {  	(tag) =	ssettag $0x0;
	lr =	simm.s32 $0x1  }
0x2: {  	[smem:$0x3F97] =	sst lr;
	_ =	strace $0xD0000000  }
0x3: {  	_ = 	snop  }
0x4: {  	_ = 	snop  }
0x5: {  	_ = 	snop  }
0x6: {  	_ = 	snop  }
0x7: {  	_ = 	snop  }
__scs_overlays_trampoline_lowered:
0x8: {  	[smem:$0x3FA6] =	sst s0  }
0x9: {  	[smem:$0x3FA7] =	sst s1  }
0xa: {  	[smem:$0x3FA8] =	sst s2  }
0xb: {  	[smem:$0x3FA9] =	sst s3  }
0xc: {  	[smem:$0x3FAA] =	sst s4  }
0xd: {  	[smem:$0x3FAB] =	sst s5  }
0xe: {  	[smem:$0x3FAC] =	sst s6  }
0xf: {  	[smem:$0x3FAD] =	sst s7  }
0x10: {  	[smem:$0x3FAE] =	sst s8  }
0x11: {  	[smem:$0x3FAF] =	sst s9;
	s0 =	simm.s32 @!p0 $0x0  }
0x12: {  	s1 =	sld [smem:$0x3F95];
	s0 =	simm.s32 @p0 $0x1  }
0x13: {  	[smem:$0x3FB0] =	sst s0;
	s0 =	simm.s32 @!p1 $0x0  }
0x14: {  	s2 =	sld [smem:$0x3F94];
	s0 =	simm.s32 @p1 $0x1  }
0x15: {  	[smem:$0x3FB1] =	sst s0;
	s0 =	simm.s32 @!p2 $0x0  }
0x16: {  	s3 =	sld [smem:$0x3FDB];
	s0 =	simm.s32 @p2 $0x1  }
0x17: {  	s4 =	simm.s32 $0x1BF5;
	[smem:$0x3FB3] =	sst s0  }
0x18: {  	s0 =	sld [smem:$0x3F96];
	_ =	swait.ge [sflag:s4], $0x0  }
0x19: {  	s7 =	sld [smem:$0x3F97]  }
0x1a: {  	s8 =	sadd.s32 $0xFFFFE003, lr  }
0x1b: {  	s9 =	sadd.s32 $0xFFFFFEF7, lr;
	s5 =	simm.s32 $0xFFFFFFFF;
	p2 =	slt.u32 s8, $0xFFFFF086  }
0x1c: {  	p1 =	slt.u32 s9, $0xF7A;
	s5 =	simm.s32 @!p2 $0x0  }
0x1d: {  	s5 =	simm.s32 @p1 $0x1;
	p0 =	seq.s32 s7, s2  }
0x1e: {  	s7 =	smul.u32 @!p0 $0xF7A, s2;
	p2 =	seq.s32 @!p0 s5, $0x0  }
0x1f: {  	s9 =	smul.u32 $0xF7A, s1;
	s8 =	simm.s32 @!p0 $0x1BF5;
	p2 =	por !p2, p0  }
0x20: {  	[sflag:s8] =	ssyncset.s32 @!p0 $0xFFFFF086;
	s6 =	sadd.s32 @!p0 s3, s7;
	s7 =	simm.s32 @!p0 $0x108  }
0x21: {  	s3 =	sadd.s32 s3, s9;
	s6 =	sadd.s32 @!p0 $0x88, s6;
	s7 =	simm.s32 @p2 $0x1082  }
0x22: {  	[simem:s7], [sflag:s8] =	dma.local @!p0 [hbm:s6], $0xF7A  }
0x23: {  	s9 =	sor.u32 $0xD0000000, s2;
	s6 =	simm.s32 $0x108;
	_ =	swait.ge @!p0 [sflag:s8], $0x0  }
0x24: {  	s3 =	sadd.s32 $0x88, s3;
	s6 =	simm.s32 @!p1 $0x1082;
	[sflag:s4] =	ssyncset.s32 $0xFFFFF086  }
0x25: {  	[simem:s6], [sflag:s4] =	dma.local [hbm:s3], $0xF7A  }
0x26: {  	[smem:$0x3F97] =	sst s1;
	(tag) =	ssettag s2;
	_ =	strace s9  }
0x27: {  	s1 =	sld [smem:$0x3FA7]  }
0x28: {  	s2 =	sld [smem:$0x3FA8]  }
0x29: {  	s4 =	sld [smem:$0x3FAA]  }
0x2a: {  	p0 =	seq.s32 s5, $0x0;
	s5 =	sld [smem:$0x3FAB]  }
0x2b: {  	s6 =	sld [smem:$0x3FAC]  }
0x2c: {  	s7 =	sld [smem:$0x3FAD]  }
0x2d: {  	s3 =	simm.s32 $0x108;
	s8 =	sld [smem:$0x3FAE]  }
0x2e: {  	s3 =	simm.s32 @!p0 $0x1082;
	s9 =	sld [smem:$0x3FAF]  }
0x2f: {  	lr =	sadd.s32 s0, s3;
	s0 =	sld [smem:$0x3FA6]  }
0x30: {  	s3 =	sld [smem:$0x3FA9]  }
0x31: {  	[smem:$0x3FB2] =	sst s10  }
0x32: {  	s10 =	sld [smem:$0x3FB0];
	_ =	sdelay $0x3  }
0x33: {  	p0 =	seq.s32 s10, $0x1;
	s10 =	sld [smem:$0x3FB2];
	_ =	sdelay $0x3  }
0x34: {  	[smem:$0x3FB2] =	sst s10  }
0x35: {  	s10 =	sld [smem:$0x3FB1];
	_ =	sdelay $0x3  }
0x36: {  	p1 =	seq.s32 s10, $0x1;
	s10 =	sld [smem:$0x3FB2];
	_ =	sdelay $0x3  }
0x37: {  	[smem:$0x3FB2] =	sst s10  }
0x38: {  	s10 =	sld [smem:$0x3FB3]  }
0x39: {  	_ = 	snop;
	(pc) =	sbr.ind lr, $3  }
0x3a: {  	_ = 	snop  }
0x3b: {  	_ = 	snop  }
0x3c: {  	p2 =	seq.s32 s10, $0x1;
	s10 =	sld [smem:$0x3FB2]  }
0x3d: {  	_ =	shalt  }
0x3e: {  	_ =	shalt  }
0x3f: {  	_ =	shalt  }
0x40: {  	_ =	shalt  }
0x41: {  	_ =	shalt  }
0x42: {  	_ =	shalt  }
0x43: {  	_ =	shalt  }
0x44: {  	_ =	shalt  }
0x45: {  	_ =	shalt  }
0x46: {  	_ =	shalt  }
0x47: {  	_ =	shalt  }
0x48: {  	_ =	shalt  }
0x49: {  	_ =	shalt  }
0x4a: {  	_ =	shalt  }
0x4b: {  	_ =	shalt  }
0x4c: {  	_ =	shalt  }
0x4d: {  	_ =	shalt  }
0x4e: {  	_ =	shalt  }
0x4f: {  	_ =	shalt  }
0x50: {  	_ =	shalt  }
0x51: {  	_ =	shalt  }
0x52: {  	_ =	shalt  }
0x53: {  	_ =	shalt  }
0x54: {  	_ =	shalt  }
0x55: {  	_ =	shalt  }
0x56: {  	_ =	shalt  }
0x57: {  	_ =	shalt  }
0x58: {  	_ =	shalt  }
0x59: {  	_ =	shalt  }
0x5a: {  	_ =	shalt  }
0x5b: {  	_ =	shalt  }
0x5c: {  	_ =	shalt  }
0x5d: {  	_ =	shalt  }
0x5e: {  	_ =	shalt  }
0x5f: {  	_ =	shalt  }
0x60: {  	_ =	shalt  }
0x61: {  	_ =	shalt  }
0x62: {  	_ =	shalt  }
0x63: {  	_ =	shalt  }
0x64: {  	_ =	shalt  }
0x65: {  	_ =	shalt  }
0x66: {  	_ =	shalt  }
0x67: {  	_ =	shalt  }
0x68: {  	_ =	shalt  }
0x69: {  	_ =	shalt  }
0x6a: {  	_ =	shalt  }
0x6b: {  	_ =	shalt  }
0x6c: {  	_ =	shalt  }
0x6d: {  	_ =	shalt  }
0x6e: {  	_ =	shalt  }
0x6f: {  	_ =	shalt  }
0x70: {  	_ =	shalt  }
0x71: {  	_ =	shalt  }
0x72: {  	_ =	shalt  }
0x73: {  	_ =	shalt  }
0x74: {  	_ =	shalt  }
0x75: {  	_ =	shalt  }
0x76: {  	_ =	shalt  }
0x77: {  	_ =	shalt  }
0x78: {  	_ =	shalt  }
0x79: {  	_ =	shalt  }
0x7a: {  	_ =	shalt  }
0x7b: {  	_ =	shalt  }
0x7c: {  	_ =	shalt  }
0x7d: {  	_ =	shalt  }
0x7e: {  	_ =	shalt  }
0x7f: {  	_ =	shalt  }
0x80: {  	_ =	shalt  }
0x81: {  	_ =	shalt  }
0x82: {  	_ =	shalt  }
0x83: {  	_ =	shalt  }
0x84: {  	_ =	shalt  }
0x85: {  	_ =	shalt  }
0x86: {  	_ =	shalt  }
0x87: {  	_ =	shalt  }
.Lfunc_end0:
.L_simem_size_0:
called_computation.1_lowered:
.L_overlay_start_0:
0x88: {  	s2 =	sld [smem:$0x3FD9]  }
0x89: {  	s3 =	sld [smem:$0x3FFE];
	_ =	sdelay $0x1  }
0x8a: {  	s1 =	srdreg.scid  }
0x8b: {  	s0 =	sand.u32 $0x1, s1  }
0x8c: {  	s17 =	sshll.u32 s0, $0xA;
	s2 =	sadd.s32 s3, s2  }
0x8d: {  	s2 =	sadd.s32 s2, s17  }
0x8e: {  	[smem:$0x3FBE] =	sst s2  }
0x8f: {  	_ = 	snop  }
0x90: {  	s2 =	sld [smem:$0x3FD0];
	(tm) =	ssettm $0x1  }
0x91: {  	s18 =	sld [smem:$0x3FFB];
	_ =	sdelay $0x3  }
0x92: {  	_ =	strace s18  }
0x93: {  	s3 =	sld [smem:$0x3FFC];
	_ =	sdelay $0x3  }
0x94: {  	_ =	strace s3  }
0x95: {  	s3 =	sld [smem:$0x3FFD];
	_ =	sdelay $0x3  }
0x96: {  	_ =	strace s3  }
0x97: {  	_ =	strace $0x8FFFFFFF  }
0x98: {  	s19 =	sld [smem:$0x3FDB];
	_ =	sdelay $0x1  }
0x99: {  	s4 =	simm.s32 $_scs_section_size  }
0x9a: {  	s5 =	simm.s32 $_size__tile_overlayer_lowered;
	s6 =	simm.s32 $_tile_overlayer_lowered  }
0x9b: {  	s22 =	simm.s32 $0x1BFF;
	s21 =	sshll.u32 s6, $0x1;
	s3 =	sadd.s32 s4, s19  }
0x9c: {  	s7 =	simm.s32 $0x0;
	s20 =	sshll.u32 s5, $0x1;
	s5 =	sadd.s32 s21, s3  }
0x9d: {  	[timem:s7], [sflag:s22] =	dma.local [hbm:s5], s20  }
0x9e: {  	_ =	swait.ge [sflag:s22], s20  }
0x9f: {  	s4 =	ssub.s32 $0x0, s20;
	[sflag:s22] =	ssyncset.done $0x0  }
0xa0: {  	[sflag:s22] =	ssyncadd.s32 s4;
	_ =	sdelay $0x1  }
0xa1: {  	s23 =	simm.s32 $0x1B8B  }
0xa2: {  	_ =	swait.ge [sflag:s23], $0x1  }
0xa3: {  	[sflag:s23] =	ssyncset.done $0x0  }
0xa4: {  	s25 =	simm.s32 $0x1B8E;
	s24 =	sld [smem:$0x3FFE];
	[sflag:s23] =	ssyncadd.s32 $0xFFFFFFFF  }
0xa5: {  	s26 =	simm.s32 $execute0_lowered;
	[smem:$0x3FD2] =	sst s25  }
0xa6: {  	s5 =	sshll.u32 s26, $0x1;
	_ =	strace $0x80000049;
	[dreg:$0x1] =	wrdreg $0xFFFFFFFF  }
0xa7: {  	s28 =	simm.s32 $_size_execute0_lowered;
	s3 =	sadd.s32 s3, s5;
	[dreg:$0x0] =	wrdreg $0x0  }
0xa8: {  	s5 =	sshll.u32 s28, $0x1;
	[dreg:$0x2] =	wrdreg s3  }
0xa9: {  	[dreg:$0x3] =	wrdreg s5  }
0xaa: {  	[dreg:$0x4] =	wrdreg $0xC0  }
0xab: {  	_ =	task [dreg:s7], $0x5FFFF  }
0xac: {  	[dreg:$0x1] =	wrdreg $0xFFFFFFFF  }
0xad: {  	[dreg:$0x0] =	wrdreg $0x60  }
0xae: {  	[dreg:$0x2] =	wrdreg s2  }
0xaf: {  	[dreg:$0x3] =	wrdreg s24  }
0xb0: {  	[dreg:$0x4] =	wrdreg $0x90000  }
0xb1: {  	[dreg:$0x5] =	wrdreg $0x9  }
0xb2: {  	_ =	task.clear_ibuf [dreg:s7], $0x6FFFF;
	_ =	strace $0x90000049  }
0xb3: {  	s29 =	simm.s32 $0x9;
	_ =	strace $0x8000004B  }
0xb4: {  	_ =	swait.ge [sflag:s29], $0x1  }
0xb5: {  	[sflag:s29] =	ssyncadd.s32 $0xFFFFFFFF  }
0xb6: {  	_ =	strace $0x9000004B  }
0xb7: {  	_ =	sfence  }
0xb8: {  	s30 =	sld [smem:$0x0];
	_ =	sdelay $0x2  }
0xb9: {  	s31 =	sshll.u32 s1, $0xD;
	s1 =	sshrl.u32 s1, $0x2  }
0xba: {  	s3 =	sand.u32 $0x4000, s31;
	s1 =	sadd.s32 s1, s30  }
0xbb: {  	s0 =	sor.u32 s3, s0;
	s1 =	sshll.u32 s1, $0x11  }
0xbc: {  	s0 =	sor.u32 s1, s0  }
0xbd: {  	s0 =	sadd.s32 $0x8F2B, s0  }
0xbe: {  	[sflag:s0] =	ssyncadd.remote.s32 $0x1  }
0xbf: {  	_ =	sfence.sel $0xFFFF  }
0xc0: {  	[dreg:$0x0] =	wrdreg $0xFFFFFFFF;
	(pc) =	sbr.abs _section_cstart, $3  }
0xc1: {  	[dreg:$0x1] =	wrdreg $0xFFFFFFFF  }
0xc2: {  	_ =	task.clear_ibuf [dreg:s7], $0x2FFFF;
	_ =	strace $0x9FFFFFFF  }
0xc3: {  	(tm) =	ssettm $0x7FFFFFFF  }
tec
execute0_lowered:
.L_overlay_start_1:
0x0: {  	(tag) =	ssettag $0x1  }
0x1: {  	s1 =	rddreg [dreg:$0x0]  }
0x2: {  	s6 =	rddreg [dreg:$0x1]  }
0x3: {  	s0 =	srdreg.scid;
	s3 =	rddreg [dreg:$0x2]  }
0x4: {  	s4 =	simm.s32 $0x0;
	s15 =	simm.s32 $0x2;
	s16 =	simm.s32 $0x2800  }
0x5: {  	s17 =	simm.s32 $0x5000;
	s18 =	simm.s32 $0x80;
	s5 =	sand.u32 $0x1, s0  }
0x6: {  	s19 =	simm.s32 $0x1;
	s0 =	stileid.u32;
	s8 =	smul.u32 $0x13C000, s5  }
0x7: {  	s22 =	simm.s32 $0x0;
	[smem:$0x7FF] =	sst s4;
	s9 =	smul.u32 $0x13C00, s0  }
0x8: {  	s2 =	sshll.u32 s5, $0x4;
	s30 =	ssub.s32 $0x2, s5;
	s10 =	smul.u32 $0x4F000, s0  }
0x9: {  	s5 =	sadd.s32 $0x17200, s6;
	s20 =	sshll.u32 s0, $0x6;
	s2 =	sor.u32 s0, s2  }
0xa: {  	s11 =	sshrl.u32 s30, $0x1;
	s20 =	sor.u32 $0x1C02, s20;
	s7 =	smul.u32 $0x500, s2  }
0xb: {  	s2 =	rddreg [dreg:$0x3];
	_ =	strace $0x8000004A;
	s8 =	sadd.s32 s9, s8  }
0xc: {  	s14 =	ssub.s32 s30, s11;
	s31 =	sshrl.u32 s10, $0x2;
	s8 =	sshrl.u32 s8, $0x3  }
0xd: {  	s14 =	smax.u32 s14, $0x1;
	s7 =	sadd.s32 s7, s6;
	s13 =	sadd.s32 s8, s6  }
0xe: {  	s8 =	sadd.s32 s31, s3;
	s6 =	sadd.s32 $0xD200, s7;
	s7 =	sadd.s32 $0x3200, s7  }
0xf: {  	s9 =	sadd.s32 $0x4000, s8;
	s10 =	sadd.s32 $0x8000, s8;
	s11 =	sadd.s32 $0xC000, s8  }
0x10: {  	s12 =	sadd.s32 $0x10000, s8;
	s13 =	sadd.s32 $0x17A00, s13;
	s21 =	sshrl.u32 s8, $0x3  }
.LBB2_1:
0x11: {  	[tilespmem:s4], [sflag:$0x2] =	stream.linear.gather [hbm4b:s6+s4], $0x2800, $0x38;
	[tilespmem:$0x1CC00] =	vst v63  }
0x12: {  	_ =	swait.ge [sflag:s15], $0x2800  }
0x13: {  	[sflag:s15] =	ssyncset.done $0x0  }
0x14: {  	[sflag:s15] =	ssyncadd.s32 $0xFFFFD800  }
0x15: {  	[tilespmem:s16], [sflag:$0x2] =	stream.linear.gather [hbm4b:s7+s4], $0x2800, $0x38;
	[tilespmem:$0x1CC00] =	vst v63  }
0x16: {  	_ =	swait.ge [sflag:s15], $0x2800  }
0x17: {  	[sflag:s15] =	ssyncset.done $0x0  }
0x18: {  	[sflag:s15] =	ssyncadd.s32 $0xFFFFD800  }
0x19: {  	[tilespmem:s17], [sflag:$0x2] =	stream.linear.gather [hbm4b:s5+s4], $0x4000, $0x38;
	[tilespmem:$0x1CC00] =	vst v63  }
0x1a: {  	_ =	swait.ge [sflag:s15], $0x4000  }
0x1b: {  	[sflag:s15] =	ssyncset.done $0x0  }
0x1c: {  	[sflag:s15] =	ssyncadd.s32 $0xFFFFC000  }
0x1d: {  	[spmem:s8] =	stream.linear.scatter [tilespmem:s17], [sflag:$0x2], $0x4000, $0x38;
	[tilespmem:$0x1CC00] =	vst v63  }
0x1e: {  	_ =	swait.ge [sflag:s15], $0x4000  }
0x1f: {  	[sflag:s15] =	ssyncset.done $0x0  }
0x20: {  	[sflag:s15] =	ssyncadd.s32 $0xFFFFC000  }
0x21: {  	[spmem:s9] =	stream.linear.scatter [tilespmem:s17], [sflag:$0x2], $0x4000, $0x38;
	[tilespmem:$0x1CC00] =	vst v63  }
0x22: {  	_ =	swait.ge [sflag:s15], $0x4000  }
0x23: {  	[sflag:s15] =	ssyncset.done $0x0  }
0x24: {  	[sflag:s15] =	ssyncadd.s32 $0xFFFFC000  }
0x25: {  	[spmem:s10] =	stream.linear.scatter [tilespmem:s17], [sflag:$0x2], $0x4000, $0x38;
	[tilespmem:$0x1CC00] =	vst v63  }
0x26: {  	_ =	swait.ge [sflag:s15], $0x4000  }
0x27: {  	[sflag:s15] =	ssyncset.done $0x0  }
0x28: {  	[sflag:s15] =	ssyncadd.s32 $0xFFFFC000  }
0x29: {  	[spmem:s11] =	stream.linear.scatter [tilespmem:s17], [sflag:$0x2], $0x4000, $0x38;
	[tilespmem:$0x1CC00] =	vst v63  }
0x2a: {  	_ =	swait.ge [sflag:s15], $0x4000  }
0x2b: {  	[sflag:s15] =	ssyncset.done $0x0  }
0x2c: {  	[sflag:s15] =	ssyncadd.s32 $0xFFFFC000  }
0x2d: {  	[spmem:s12] =	stream.linear.scatter [tilespmem:s17], [sflag:$0x2], $0x3C00, $0x38;
	[tilespmem:$0x1CC00] =	vst v63  }
0x2e: {  	_ =	swait.ge [sflag:s15], $0x3C00  }
0x2f: {  	[sflag:s15] =	ssyncset.done $0x0  }
0x30: {  	[sflag:s15] =	ssyncadd.s32 $0xFFFFC400  }
0x31: {  	s23 =	simm.s32 $0x0;
	[bflag:$0x0] =	sbarrier.arrive $0xFFFF  }
0x32: {  	[tilespmem:s17], [sflag:$0x1] =	stream.indirect.gather [hbm4b:s1+s18], $0x80, s23, s18, $0xb8;
	[tilespmem:$0x1CC00] =	vst v63  }
0x33: {  	_ =	swait.ge [sflag:s19], $0x4000  }
0x34: {  	[sflag:s19] =	ssyncset.done $0x0  }
0x35: {  	s31 =	simm.s32 $0x2800;
	[sflag:s19] =	ssyncadd.s32 $0xFFFFC000  }
0x36: {  	[spmem:s3] =	stream.indirect.scatter.add.f32 [tilespmem:s17], [sflag:$0x2], $0x80, s31, s18, $0xb8;
	[tilespmem:$0x1CC00] =	vst v63  }
0x37: {  	_ =	swait.ge [sflag:s15], $0x4000  }
0x38: {  	s24 =	simm.s32 $0x400;
	s23 =	simm.s32 $0x200;
	[sflag:s15] =	ssyncset.done $0x0  }
.LBB2_2:
0x39: {  	s25 =	sshra.s32 s23, $0x2  }
0x3a: {  	[sflag:s15] =	ssyncadd.s32 $0xFFFFC000;
	s23 =	smov.u32 s24;
	s26 =	sadd.s32 $0x200, s24  }
0x3b: {  	[tilespmem:s17], [sflag:$0x1] =	stream.indirect.gather [hbm4b:s1+s18], $0x80, s25, s18, $0xb8;
	[tilespmem:$0x1CC00] =	vst v63  }
0x3c: {  	p0 =	sne.s32 s24, $0x9E00;
	_ =	swait.ge [sflag:s19], $0x4000  }
.Ltmp0:
0x3d: {  	[sflag:s19] =	ssyncset.done $0x0;
	(pc) =	sbr.rel @p0 .LBB2_2-.Ltmp0, $4  }
0x3e: {  	s24 =	sadd.s32 $0x2800, s25;
	[sflag:s19] =	ssyncadd.s32 $0xFFFFC000  }
0x3f: {  	[spmem:s3] =	stream.indirect.scatter.add.f32 [tilespmem:s17], [sflag:$0x2], $0x80, s24, s18, $0xb8;
	[tilespmem:$0x1CC00] =	vst v63  }
0x40: {  	_ =	swait.ge [sflag:s15], $0x4000  }
0x41: {  	s24 =	smov.u32 s26;
	[sflag:s15] =	ssyncset.done $0x0  }
0x42: {  	s23 =	sshra.s32 s23, $0x2;
	[sflag:s15] =	ssyncadd.s32 $0xFFFFC000  }
0x43: {  	[tilespmem:s17], [sflag:$0x1] =	stream.indirect.gather [hbm4b:s1+s18], $0x80, s23, s18, $0xb8;
	[tilespmem:$0x1CC00] =	vst v63  }
0x44: {  	_ =	swait.ge [sflag:s19], $0x4000  }
0x45: {  	[sflag:s19] =	ssyncset.done $0x0  }
0x46: {  	s23 =	sadd.s32 $0x2800, s23;
	[sflag:s19] =	ssyncadd.s32 $0xFFFFC000  }
0x47: {  	[spmem:s3] =	stream.indirect.scatter.add.f32 [tilespmem:s17], [sflag:$0x2], $0x80, s23, s18, $0xb8;
	[tilespmem:$0x1CC00] =	vst v63  }
0x48: {  	_ =	swait.ge [sflag:s15], $0x4000  }
0x49: {  	s22 =	sadd.s32 $0x1, s22;
	[sflag:s15] =	ssyncset.done $0x0  }
0x4a: {  	p0 =	sne.s32 s22, s14;
	[sflag:s15] =	ssyncadd.s32 $0xFFFFC000  }
.Ltmp1:
0x4b: {  	[bflag:$0x0] =	sbarrier.arrive $0xFFFF;
	(pc) =	sbr.rel @p0 .LBB2_1-.Ltmp1, $4  }
0x4c: {  	[hbm:s13], [sflag:s20] =	dma.local [spmem:s21], $0x2780  }
0x4d: {  	_ =	swait.ge [sflag:s15], $0x2780  }
0x4e: {  	[sflag:s15] =	ssyncset.done $0x0  }
0x4f: {  	[sflag:s15] =	ssyncadd.s32 $0xFFFFD880  }
0x50: {  	_ =	sfence.sel $0x180000  }
0x51: {  	[bflag:$0x0] =	sbarrier.arrive $0xFFFF  }
0x52: {  	p0 =	sne.s32 s0, $0x0;
	_ =	strace $0x9000004A  }
0x53: {  	s0 =	sadd.s32 @!p0 $0x100000, s2;
	[bflag:$0x2] =	sbarrier.arrive $0xFFFF  }
0x54: {  	[sflag:s0] =	ssyncadd.tile.s32 @!p0 $0x1;
	_ =	shalt  }
.Lfunc_end2:
_tile_overlayer_lowered:
.L_overlay_start_2:
0x55: {  	(tag) =	ssettag $0x2  }
0x56: {  	s0 =	rddreg [dreg:$0x0];
	s2 =	stileid.u32  }
0x57: {  	s1 =	rddreg [dreg:$0x1];
	p0 =	sne.s32 s2, $0x0  }
0x58: {  	s3 =	rddreg [dreg:$0x2];
	[bflag:$0x3] =	sbarrier.arrive $0xFFFF;
	s2 =	simm.s32 @!p0 $0x1C02  }
0x59: {  	[timem:s3], [sflag:s2] =	dma.local @!p0 [hbm:s0], s1  }
0x5a: {  	s0 =	simm.s32 @!p0 $0x2  }
0x5b: {  	_ =	swait.ge @!p0 [sflag:s0], s1  }
0x5c: {  	s1 =	ssub.s32 @!p0 $0x0, s1;
	[sflag:s0] =	ssyncset.done @!p0 $0x0  }
0x5d: {  	[sflag:s0] =	ssyncadd.s32 @!p0 s1  }
0x5e: {  	[bflag:$0x3] =	sbarrier.arrive $0xFFFF  }
0x5f: {  	_ =	shalt  }

// kernel: kernel.15.cloned.1.call-start
scs
__scs_entry_jumppad:
0x0: {  	(pc) =	sbr.rel $0x88, $3  }
0x1: {  	(tag) =	ssettag $0x0;
	lr =	simm.s32 $0x1  }
0x2: {  	[smem:$0x3F97] =	sst lr;
	_ =	strace $0xD0000000  }
0x3: {  	_ = 	snop  }
0x4: {  	_ = 	snop  }
0x5: {  	_ = 	snop  }
0x6: {  	_ = 	snop  }
0x7: {  	_ = 	snop  }
__scs_overlays_trampoline_lowered:
0x8: {  	[smem:$0x3FA6] =	sst s0  }
0x9: {  	[smem:$0x3FA7] =	sst s1  }
0xa: {  	[smem:$0x3FA8] =	sst s2  }
0xb: {  	[smem:$0x3FA9] =	sst s3  }
0xc: {  	[smem:$0x3FAA] =	sst s4  }
0xd: {  	[smem:$0x3FAB] =	sst s5  }
0xe: {  	[smem:$0x3FAC] =	sst s6  }
0xf: {  	[smem:$0x3FAD] =	sst s7  }
0x10: {  	[smem:$0x3FAE] =	sst s8  }
0x11: {  	[smem:$0x3FAF] =	sst s9;
	s0 =	simm.s32 @!p0 $0x0  }
0x12: {  	s1 =	sld [smem:$0x3F95];
	s0 =	simm.s32 @p0 $0x1  }
0x13: {  	[smem:$0x3FB0] =	sst s0;
	s0 =	simm.s32 @!p1 $0x0  }
0x14: {  	s2 =	sld [smem:$0x3F94];
	s0 =	simm.s32 @p1 $0x1  }
0x15: {  	[smem:$0x3FB1] =	sst s0;
	s0 =	simm.s32 @!p2 $0x0  }
0x16: {  	s3 =	sld [smem:$0x3FDB];
	s0 =	simm.s32 @p2 $0x1  }
0x17: {  	s4 =	simm.s32 $0x1BF5;
	[smem:$0x3FB3] =	sst s0  }
0x18: {  	s0 =	sld [smem:$0x3F96];
	_ =	swait.ge [sflag:s4], $0x0  }
0x19: {  	s7 =	sld [smem:$0x3F97]  }
0x1a: {  	s8 =	sadd.s32 $0xFFFFE003, lr  }
0x1b: {  	s9 =	sadd.s32 $0xFFFFFEF7, lr;
	s5 =	simm.s32 $0xFFFFFFFF;
	p2 =	slt.u32 s8, $0xFFFFF086  }
0x1c: {  	p1 =	slt.u32 s9, $0xF7A;
	s5 =	simm.s32 @!p2 $0x0  }
0x1d: {  	s5 =	simm.s32 @p1 $0x1;
	p0 =	seq.s32 s7, s2  }
0x1e: {  	s7 =	smul.u32 @!p0 $0xF7A, s2;
	p2 =	seq.s32 @!p0 s5, $0x0  }
0x1f: {  	s9 =	smul.u32 $0xF7A, s1;
	s8 =	simm.s32 @!p0 $0x1BF5;
	p2 =	por !p2, p0  }
0x20: {  	[sflag:s8] =	ssyncset.s32 @!p0 $0xFFFFF086;
	s6 =	sadd.s32 @!p0 s3, s7;
	s7 =	simm.s32 @!p0 $0x108  }
0x21: {  	s3 =	sadd.s32 s3, s9;
	s6 =	sadd.s32 @!p0 $0x88, s6;
	s7 =	simm.s32 @p2 $0x1082  }
0x22: {  	[simem:s7], [sflag:s8] =	dma.local @!p0 [hbm:s6], $0xF7A  }
0x23: {  	s9 =	sor.u32 $0xD0000000, s2;
	s6 =	simm.s32 $0x108;
	_ =	swait.ge @!p0 [sflag:s8], $0x0  }
0x24: {  	s3 =	sadd.s32 $0x88, s3;
	s6 =	simm.s32 @!p1 $0x1082;
	[sflag:s4] =	ssyncset.s32 $0xFFFFF086  }
0x25: {  	[simem:s6], [sflag:s4] =	dma.local [hbm:s3], $0xF7A  }
0x26: {  	[smem:$0x3F97] =	sst s1;
	(tag) =	ssettag s2;
	_ =	strace s9  }
0x27: {  	s1 =	sld [smem:$0x3FA7]  }
0x28: {  	s2 =	sld [smem:$0x3FA8]  }
0x29: {  	s4 =	sld [smem:$0x3FAA]  }
0x2a: {  	p0 =	seq.s32 s5, $0x0;
	s5 =	sld [smem:$0x3FAB]  }
0x2b: {  	s6 =	sld [smem:$0x3FAC]  }
0x2c: {  	s7 =	sld [smem:$0x3FAD]  }
0x2d: {  	s3 =	simm.s32 $0x108;
	s8 =	sld [smem:$0x3FAE]  }
0x2e: {  	s3 =	simm.s32 @!p0 $0x1082;
	s9 =	sld [smem:$0x3FAF]  }
0x2f: {  	lr =	sadd.s32 s0, s3;
	s0 =	sld [smem:$0x3FA6]  }
0x30: {  	s3 =	sld [smem:$0x3FA9]  }
0x31: {  	[smem:$0x3FB2] =	sst s10  }
0x32: {  	s10 =	sld [smem:$0x3FB0];
	_ =	sdelay $0x3  }
0x33: {  	p0 =	seq.s32 s10, $0x1;
	s10 =	sld [smem:$0x3FB2];
	_ =	sdelay $0x3  }
0x34: {  	[smem:$0x3FB2] =	sst s10  }
0x35: {  	s10 =	sld [smem:$0x3FB1];
	_ =	sdelay $0x3  }
0x36: {  	p1 =	seq.s32 s10, $0x1;
	s10 =	sld [smem:$0x3FB2];
	_ =	sdelay $0x3  }
0x37: {  	[smem:$0x3FB2] =	sst s10  }
0x38: {  	s10 =	sld [smem:$0x3FB3]  }
0x39: {  	_ = 	snop;
	(pc) =	sbr.ind lr, $3  }
0x3a: {  	_ = 	snop  }
0x3b: {  	_ = 	snop  }
0x3c: {  	p2 =	seq.s32 s10, $0x1;
	s10 =	sld [smem:$0x3FB2]  }
0x3d: {  	_ =	shalt  }
0x3e: {  	_ =	shalt  }
0x3f: {  	_ =	shalt  }
0x40: {  	_ =	shalt  }
0x41: {  	_ =	shalt  }
0x42: {  	_ =	shalt  }
0x43: {  	_ =	shalt  }
0x44: {  	_ =	shalt  }
0x45: {  	_ =	shalt  }
0x46: {  	_ =	shalt  }
0x47: {  	_ =	shalt  }
0x48: {  	_ =	shalt  }
0x49: {  	_ =	shalt  }
0x4a: {  	_ =	shalt  }
0x4b: {  	_ =	shalt  }
0x4c: {  	_ =	shalt  }
0x4d: {  	_ =	shalt  }
0x4e: {  	_ =	shalt  }
0x4f: {  	_ =	shalt  }
0x50: {  	_ =	shalt  }
0x51: {  	_ =	shalt  }
0x52: {  	_ =	shalt  }
0x53: {  	_ =	shalt  }
0x54: {  	_ =	shalt  }
0x55: {  	_ =	shalt  }
0x56: {  	_ =	shalt  }
0x57: {  	_ =	shalt  }
0x58: {  	_ =	shalt  }
0x59: {  	_ =	shalt  }
0x5a: {  	_ =	shalt  }
0x5b: {  	_ =	shalt  }
0x5c: {  	_ =	shalt  }
0x5d: {  	_ =	shalt  }
0x5e: {  	_ =	shalt  }
0x5f: {  	_ =	shalt  }
0x60: {  	_ =	shalt  }
0x61: {  	_ =	shalt  }
0x62: {  	_ =	shalt  }
0x63: {  	_ =	shalt  }
0x64: {  	_ =	shalt  }
0x65: {  	_ =	shalt  }
0x66: {  	_ =	shalt  }
0x67: {  	_ =	shalt  }
0x68: {  	_ =	shalt  }
0x69: {  	_ =	shalt  }
0x6a: {  	_ =	shalt  }
0x6b: {  	_ =	shalt  }
0x6c: {  	_ =	shalt  }
0x6d: {  	_ =	shalt  }
0x6e: {  	_ =	shalt  }
0x6f: {  	_ =	shalt  }
0x70: {  	_ =	shalt  }
0x71: {  	_ =	shalt  }
0x72: {  	_ =	shalt  }
0x73: {  	_ =	shalt  }
0x74: {  	_ =	shalt  }
0x75: {  	_ =	shalt  }
0x76: {  	_ =	shalt  }
0x77: {  	_ =	shalt  }
0x78: {  	_ =	shalt  }
0x79: {  	_ =	shalt  }
0x7a: {  	_ =	shalt  }
0x7b: {  	_ =	shalt  }
0x7c: {  	_ =	shalt  }
0x7d: {  	_ =	shalt  }
0x7e: {  	_ =	shalt  }
0x7f: {  	_ =	shalt  }
0x80: {  	_ =	shalt  }
0x81: {  	_ =	shalt  }
0x82: {  	_ =	shalt  }
0x83: {  	_ =	shalt  }
0x84: {  	_ =	shalt  }
0x85: {  	_ =	shalt  }
0x86: {  	_ =	shalt  }
0x87: {  	_ =	shalt  }
.Lfunc_end0:
.L_simem_size_0:
called_computation.2_lowered:
.L_overlay_start_0:
0x88: {  	s2 =	sld [smem:$0x3FD9]  }
0x89: {  	s3 =	sld [smem:$0x3FFE];
	_ =	sdelay $0x1  }
0x8a: {  	s1 =	srdreg.scid  }
0x8b: {  	s0 =	sand.u32 $0x1, s1  }
0x8c: {  	s17 =	sshll.u32 s0, $0xA;
	s2 =	sadd.s32 s3, s2  }
0x8d: {  	s2 =	sadd.s32 s2, s17  }
0x8e: {  	[smem:$0x3FBE] =	sst s2  }
0x8f: {  	_ = 	snop  }
0x90: {  	s2 =	sld [smem:$0x3FD0];
	(tm) =	ssettm $0x1  }
0x91: {  	s18 =	sld [smem:$0x3FFB];
	_ =	sdelay $0x3  }
0x92: {  	_ =	strace s18  }
0x93: {  	s3 =	sld [smem:$0x3FFC];
	_ =	sdelay $0x3  }
0x94: {  	_ =	strace s3  }
0x95: {  	s3 =	sld [smem:$0x3FFD];
	_ =	sdelay $0x3  }
0x96: {  	_ =	strace s3  }
0x97: {  	_ =	strace $0x8FFFFFFF  }
0x98: {  	s19 =	sld [smem:$0x3FDB];
	_ =	sdelay $0x1  }
0x99: {  	s4 =	simm.s32 $_scs_section_size  }
0x9a: {  	s5 =	simm.s32 $_size__tile_overlayer_lowered;
	s6 =	simm.s32 $_tile_overlayer_lowered  }
0x9b: {  	s22 =	simm.s32 $0x1BFF;
	s21 =	sshll.u32 s6, $0x1;
	s3 =	sadd.s32 s4, s19  }
0x9c: {  	s7 =	simm.s32 $0x0;
	s20 =	sshll.u32 s5, $0x1;
	s5 =	sadd.s32 s21, s3  }
0x9d: {  	[timem:s7], [sflag:s22] =	dma.local [hbm:s5], s20  }
0x9e: {  	_ =	swait.ge [sflag:s22], s20  }
0x9f: {  	s4 =	ssub.s32 $0x0, s20;
	[sflag:s22] =	ssyncset.done $0x0  }
0xa0: {  	[sflag:s22] =	ssyncadd.s32 s4;
	_ =	sdelay $0x1  }
0xa1: {  	s23 =	simm.s32 $0x1B8B  }
0xa2: {  	_ =	swait.ge [sflag:s23], $0x1  }
0xa3: {  	[sflag:s23] =	ssyncset.done $0x0  }
0xa4: {  	s25 =	simm.s32 $0x1B8E;
	s24 =	sld [smem:$0x3FFE];
	[sflag:s23] =	ssyncadd.s32 $0xFFFFFFFF  }
0xa5: {  	s26 =	simm.s32 $execute0_lowered;
	[smem:$0x3FD2] =	sst s25  }
0xa6: {  	s5 =	sshll.u32 s26, $0x1;
	_ =	strace $0x8000004C;
	[dreg:$0x1] =	wrdreg $0xFFFFFFFF  }
0xa7: {  	s28 =	simm.s32 $_size_execute0_lowered;
	s3 =	sadd.s32 s3, s5;
	[dreg:$0x0] =	wrdreg $0x0  }
0xa8: {  	s5 =	sshll.u32 s28, $0x1;
	[dreg:$0x2] =	wrdreg s3  }
0xa9: {  	[dreg:$0x3] =	wrdreg s5  }
0xaa: {  	[dreg:$0x4] =	wrdreg $0xC0  }
0xab: {  	_ =	task [dreg:s7], $0x5FFFF  }
0xac: {  	[dreg:$0x1] =	wrdreg $0xFFFFFFFF  }
0xad: {  	[dreg:$0x0] =	wrdreg $0x60  }
0xae: {  	[dreg:$0x2] =	wrdreg s2  }
0xaf: {  	[dreg:$0x3] =	wrdreg s24  }
0xb0: {  	[dreg:$0x4] =	wrdreg $0x90000  }
0xb1: {  	[dreg:$0x5] =	wrdreg $0x9  }
0xb2: {  	_ =	task.clear_ibuf [dreg:s7], $0x6FFFF;
	_ =	strace $0x9000004C  }
0xb3: {  	s29 =	simm.s32 $0x9;
	_ =	strace $0x8000004E  }
0xb4: {  	_ =	swait.ge [sflag:s29], $0x1  }
0xb5: {  	[sflag:s29] =	ssyncadd.s32 $0xFFFFFFFF  }
0xb6: {  	_ =	strace $0x9000004E  }
0xb7: {  	_ =	sfence  }
0xb8: {  	s30 =	sld [smem:$0x0];
	_ =	sdelay $0x2  }
0xb9: {  	s31 =	sshll.u32 s1, $0xD;
	s1 =	sshrl.u32 s1, $0x2  }
0xba: {  	s3 =	sand.u32 $0x4000, s31;
	s1 =	sadd.s32 s1, s30  }
0xbb: {  	s0 =	sor.u32 s3, s0;
	s1 =	sshll.u32 s1, $0x11  }
0xbc: {  	s0 =	sor.u32 s1, s0  }
0xbd: {  	s0 =	sadd.s32 $0x8F2B, s0  }
0xbe: {  	[sflag:s0] =	ssyncadd.remote.s32 $0x1  }
0xbf: {  	_ =	sfence.sel $0xFFFF  }
0xc0: {  	[dreg:$0x0] =	wrdreg $0xFFFFFFFF;
	(pc) =	sbr.abs _section_cstart, $3  }
0xc1: {  	[dreg:$0x1] =	wrdreg $0xFFFFFFFF  }
0xc2: {  	_ =	task.clear_ibuf [dreg:s7], $0x2FFFF;
	_ =	strace $0x9FFFFFFF  }
0xc3: {  	(tm) =	ssettm $0x7FFFFFFF  }
tec
execute0_lowered:
.L_overlay_start_1:
0x0: {  	(tag) =	ssettag $0x1  }
0x1: {  	s1 =	rddreg [dreg:$0x0]  }
0x2: {  	s6 =	rddreg [dreg:$0x1]  }
0x3: {  	s0 =	srdreg.scid;
	s3 =	rddreg [dreg:$0x2]  }
0x4: {  	s4 =	simm.s32 $0x0;
	s15 =	simm.s32 $0x2;
	s16 =	simm.s32 $0x2800  }
0x5: {  	s17 =	simm.s32 $0x5000;
	s18 =	simm.s32 $0x80;
	s5 =	sand.u32 $0x1, s0  }
0x6: {  	s19 =	simm.s32 $0x1;
	s0 =	stileid.u32;
	s8 =	smul.u32 $0x13C000, s5  }
0x7: {  	s22 =	simm.s32 $0x0;
	[smem:$0x7FF] =	sst s4;
	s9 =	smul.u32 $0x13C00, s0  }
0x8: {  	s2 =	sshll.u32 s5, $0x4;
	s30 =	ssub.s32 $0x2, s5;
	s10 =	smul.u32 $0x4F000, s0  }
0x9: {  	s5 =	sadd.s32 $0x17200, s6;
	s20 =	sshll.u32 s0, $0x6;
	s2 =	sor.u32 s0, s2  }
0xa: {  	s11 =	sshrl.u32 s30, $0x1;
	s20 =	sor.u32 $0x1C02, s20;
	s7 =	smul.u32 $0x500, s2  }
0xb: {  	s2 =	rddreg [dreg:$0x3];
	_ =	strace $0x8000004D;
	s8 =	sadd.s32 s9, s8  }
0xc: {  	s14 =	ssub.s32 s30, s11;
	s31 =	sshrl.u32 s10, $0x2;
	s8 =	sshrl.u32 s8, $0x3  }
0xd: {  	s14 =	smax.u32 s14, $0x1;
	s7 =	sadd.s32 s7, s6;
	s13 =	sadd.s32 s8, s6  }
0xe: {  	s8 =	sadd.s32 s31, s3;
	s6 =	sadd.s32 $0xD200, s7;
	s7 =	sadd.s32 $0x3200, s7  }
0xf: {  	s9 =	sadd.s32 $0x4000, s8;
	s10 =	sadd.s32 $0x8000, s8;
	s11 =	sadd.s32 $0xC000, s8  }
0x10: {  	s12 =	sadd.s32 $0x10000, s8;
	s13 =	sadd.s32 $0x17A00, s13;
	s21 =	sshrl.u32 s8, $0x3  }
.LBB2_1:
0x11: {  	[tilespmem:s4], [sflag:$0x2] =	stream.linear.gather [hbm4b:s6+s4], $0x2800, $0x38;
	[tilespmem:$0x1CC00] =	vst v63  }
0x12: {  	_ =	swait.ge [sflag:s15], $0x2800  }
0x13: {  	[sflag:s15] =	ssyncset.done $0x0  }
0x14: {  	[sflag:s15] =	ssyncadd.s32 $0xFFFFD800  }
0x15: {  	[tilespmem:s16], [sflag:$0x2] =	stream.linear.gather [hbm4b:s7+s4], $0x2800, $0x38;
	[tilespmem:$0x1CC00] =	vst v63  }
0x16: {  	_ =	swait.ge [sflag:s15], $0x2800  }
0x17: {  	[sflag:s15] =	ssyncset.done $0x0  }
0x18: {  	[sflag:s15] =	ssyncadd.s32 $0xFFFFD800  }
0x19: {  	[tilespmem:s17], [sflag:$0x2] =	stream.linear.gather [hbm4b:s5+s4], $0x4000, $0x38;
	[tilespmem:$0x1CC00] =	vst v63  }
0x1a: {  	_ =	swait.ge [sflag:s15], $0x4000  }
0x1b: {  	[sflag:s15] =	ssyncset.done $0x0  }
0x1c: {  	[sflag:s15] =	ssyncadd.s32 $0xFFFFC000  }
0x1d: {  	[spmem:s8] =	stream.linear.scatter [tilespmem:s17], [sflag:$0x2], $0x4000, $0x38;
	[tilespmem:$0x1CC00] =	vst v63  }
0x1e: {  	_ =	swait.ge [sflag:s15], $0x4000  }
0x1f: {  	[sflag:s15] =	ssyncset.done $0x0  }
0x20: {  	[sflag:s15] =	ssyncadd.s32 $0xFFFFC000  }
0x21: {  	[spmem:s9] =	stream.linear.scatter [tilespmem:s17], [sflag:$0x2], $0x4000, $0x38;
	[tilespmem:$0x1CC00] =	vst v63  }
0x22: {  	_ =	swait.ge [sflag:s15], $0x4000  }
0x23: {  	[sflag:s15] =	ssyncset.done $0x0  }
0x24: {  	[sflag:s15] =	ssyncadd.s32 $0xFFFFC000  }
0x25: {  	[spmem:s10] =	stream.linear.scatter [tilespmem:s17], [sflag:$0x2], $0x4000, $0x38;
	[tilespmem:$0x1CC00] =	vst v63  }
0x26: {  	_ =	swait.ge [sflag:s15], $0x4000  }
0x27: {  	[sflag:s15] =	ssyncset.done $0x0  }
0x28: {  	[sflag:s15] =	ssyncadd.s32 $0xFFFFC000  }
0x29: {  	[spmem:s11] =	stream.linear.scatter [tilespmem:s17], [sflag:$0x2], $0x4000, $0x38;
	[tilespmem:$0x1CC00] =	vst v63  }
0x2a: {  	_ =	swait.ge [sflag:s15], $0x4000  }
0x2b: {  	[sflag:s15] =	ssyncset.done $0x0  }
0x2c: {  	[sflag:s15] =	ssyncadd.s32 $0xFFFFC000  }
0x2d: {  	[spmem:s12] =	stream.linear.scatter [tilespmem:s17], [sflag:$0x2], $0x3C00, $0x38;
	[tilespmem:$0x1CC00] =	vst v63  }
0x2e: {  	_ =	swait.ge [sflag:s15], $0x3C00  }
0x2f: {  	[sflag:s15] =	ssyncset.done $0x0  }
0x30: {  	[sflag:s15] =	ssyncadd.s32 $0xFFFFC400  }
0x31: {  	s23 =	simm.s32 $0x0;
	[bflag:$0x0] =	sbarrier.arrive $0xFFFF  }
0x32: {  	[tilespmem:s17], [sflag:$0x1] =	stream.indirect.gather [hbm4b:s1+s18], $0x80, s23, s18, $0xb8;
	[tilespmem:$0x1CC00] =	vst v63  }
0x33: {  	_ =	swait.ge [sflag:s19], $0x4000  }
0x34: {  	[sflag:s19] =	ssyncset.done $0x0  }
0x35: {  	s31 =	simm.s32 $0x2800;
	[sflag:s19] =	ssyncadd.s32 $0xFFFFC000  }
0x36: {  	[spmem:s3] =	stream.indirect.scatter.add.f32 [tilespmem:s17], [sflag:$0x2], $0x80, s31, s18, $0xb8;
	[tilespmem:$0x1CC00] =	vst v63  }
0x37: {  	_ =	swait.ge [sflag:s15], $0x4000  }
0x38: {  	s24 =	simm.s32 $0x400;
	s23 =	simm.s32 $0x200;
	[sflag:s15] =	ssyncset.done $0x0  }
.LBB2_2:
0x39: {  	s25 =	sshra.s32 s23, $0x2  }
0x3a: {  	[sflag:s15] =	ssyncadd.s32 $0xFFFFC000;
	s23 =	smov.u32 s24;
	s26 =	sadd.s32 $0x200, s24  }
0x3b: {  	[tilespmem:s17], [sflag:$0x1] =	stream.indirect.gather [hbm4b:s1+s18], $0x80, s25, s18, $0xb8;
	[tilespmem:$0x1CC00] =	vst v63  }
0x3c: {  	p0 =	sne.s32 s24, $0x9E00;
	_ =	swait.ge [sflag:s19], $0x4000  }
.Ltmp0:
0x3d: {  	[sflag:s19] =	ssyncset.done $0x0;
	(pc) =	sbr.rel @p0 .LBB2_2-.Ltmp0, $4  }
0x3e: {  	s24 =	sadd.s32 $0x2800, s25;
	[sflag:s19] =	ssyncadd.s32 $0xFFFFC000  }
0x3f: {  	[spmem:s3] =	stream.indirect.scatter.add.f32 [tilespmem:s17], [sflag:$0x2], $0x80, s24, s18, $0xb8;
	[tilespmem:$0x1CC00] =	vst v63  }
0x40: {  	_ =	swait.ge [sflag:s15], $0x4000  }
0x41: {  	s24 =	smov.u32 s26;
	[sflag:s15] =	ssyncset.done $0x0  }
0x42: {  	s23 =	sshra.s32 s23, $0x2;
	[sflag:s15] =	ssyncadd.s32 $0xFFFFC000  }
0x43: {  	[tilespmem:s17], [sflag:$0x1] =	stream.indirect.gather [hbm4b:s1+s18], $0x80, s23, s18, $0xb8;
	[tilespmem:$0x1CC00] =	vst v63  }
0x44: {  	_ =	swait.ge [sflag:s19], $0x4000  }
0x45: {  	[sflag:s19] =	ssyncset.done $0x0  }
0x46: {  	s23 =	sadd.s32 $0x2800, s23;
	[sflag:s19] =	ssyncadd.s32 $0xFFFFC000  }
0x47: {  	[spmem:s3] =	stream.indirect.scatter.add.f32 [tilespmem:s17], [sflag:$0x2], $0x80, s23, s18, $0xb8;
	[tilespmem:$0x1CC00] =	vst v63  }
0x48: {  	_ =	swait.ge [sflag:s15], $0x4000  }
0x49: {  	s22 =	sadd.s32 $0x1, s22;
	[sflag:s15] =	ssyncset.done $0x0  }
0x4a: {  	p0 =	sne.s32 s22, s14;
	[sflag:s15] =	ssyncadd.s32 $0xFFFFC000  }
.Ltmp1:
0x4b: {  	[bflag:$0x0] =	sbarrier.arrive $0xFFFF;
	(pc) =	sbr.rel @p0 .LBB2_1-.Ltmp1, $4  }
0x4c: {  	[hbm:s13], [sflag:s20] =	dma.local [spmem:s21], $0x2780  }
0x4d: {  	_ =	swait.ge [sflag:s15], $0x2780  }
0x4e: {  	[sflag:s15] =	ssyncset.done $0x0  }
0x4f: {  	[sflag:s15] =	ssyncadd.s32 $0xFFFFD880  }
0x50: {  	_ =	sfence.sel $0x180000  }
0x51: {  	[bflag:$0x0] =	sbarrier.arrive $0xFFFF  }
0x52: {  	p0 =	sne.s32 s0, $0x0;
	_ =	strace $0x9000004D  }
0x53: {  	s0 =	sadd.s32 @!p0 $0x100000, s2;
	[bflag:$0x2] =	sbarrier.arrive $0xFFFF  }
0x54: {  	[sflag:s0] =	ssyncadd.tile.s32 @!p0 $0x1;
	_ =	shalt  }
.Lfunc_end2:
_tile_overlayer_lowered:
.L_overlay_start_2:
0x55: {  	(tag) =	ssettag $0x2  }
0x56: {  	s0 =	rddreg [dreg:$0x0];
	s2 =	stileid.u32  }
0x57: {  	s1 =	rddreg [dreg:$0x1];
	p0 =	sne.s32 s2, $0x0  }
0x58: {  	s3 =	rddreg [dreg:$0x2];
	[bflag:$0x3] =	sbarrier.arrive $0xFFFF;
	s2 =	simm.s32 @!p0 $0x1C02  }
0x59: {  	[timem:s3], [sflag:s2] =	dma.local @!p0 [hbm:s0], s1  }
0x5a: {  	s0 =	simm.s32 @!p0 $0x2  }
0x5b: {  	_ =	swait.ge @!p0 [sflag:s0], s1  }
0x5c: {  	s1 =	ssub.s32 @!p0 $0x0, s1;
	[sflag:s0] =	ssyncset.done @!p0 $0x0  }
0x5d: {  	[sflag:s0] =	ssyncadd.s32 @!p0 s1  }
0x5e: {  	[bflag:$0x3] =	sbarrier.arrive $0xFFFF  }
0x5f: {  	_ =	shalt  }

// kernel: kernel.9.cloned.1.call-start
scs
__scs_entry_jumppad:
0x0: {  	(pc) =	sbr.rel $0x88, $3  }
0x1: {  	(tag) =	ssettag $0x0;
	lr =	simm.s32 $0x1  }
0x2: {  	[smem:$0x3F97] =	sst lr;
	_ =	strace $0xD0000000  }
0x3: {  	_ = 	snop  }
0x4: {  	_ = 	snop  }
0x5: {  	_ = 	snop  }
0x6: {  	_ = 	snop  }
0x7: {  	_ = 	snop  }
__scs_overlays_trampoline_lowered:
0x8: {  	[smem:$0x3FA6] =	sst s0  }
0x9: {  	[smem:$0x3FA7] =	sst s1  }
0xa: {  	[smem:$0x3FA8] =	sst s2  }
0xb: {  	[smem:$0x3FA9] =	sst s3  }
0xc: {  	[smem:$0x3FAA] =	sst s4  }
0xd: {  	[smem:$0x3FAB] =	sst s5  }
0xe: {  	[smem:$0x3FAC] =	sst s6  }
0xf: {  	[smem:$0x3FAD] =	sst s7  }
0x10: {  	[smem:$0x3FAE] =	sst s8  }
0x11: {  	[smem:$0x3FAF] =	sst s9;
	s0 =	simm.s32 @!p0 $0x0  }
0x12: {  	s1 =	sld [smem:$0x3F95];
	s0 =	simm.s32 @p0 $0x1  }
0x13: {  	[smem:$0x3FB0] =	sst s0;
	s0 =	simm.s32 @!p1 $0x0  }
0x14: {  	s2 =	sld [smem:$0x3F94];
	s0 =	simm.s32 @p1 $0x1  }
0x15: {  	[smem:$0x3FB1] =	sst s0;
	s0 =	simm.s32 @!p2 $0x0  }
0x16: {  	s3 =	sld [smem:$0x3FDB];
	s0 =	simm.s32 @p2 $0x1  }
0x17: {  	s4 =	simm.s32 $0x1BF5;
	[smem:$0x3FB3] =	sst s0  }
0x18: {  	s0 =	sld [smem:$0x3F96];
	_ =	swait.ge [sflag:s4], $0x0  }
0x19: {  	s7 =	sld [smem:$0x3F97]  }
0x1a: {  	s8 =	sadd.s32 $0xFFFFE003, lr  }
0x1b: {  	s9 =	sadd.s32 $0xFFFFFEF7, lr;
	s5 =	simm.s32 $0xFFFFFFFF;
	p2 =	slt.u32 s8, $0xFFFFF086  }
0x1c: {  	p1 =	slt.u32 s9, $0xF7A;
	s5 =	simm.s32 @!p2 $0x0  }
0x1d: {  	s5 =	simm.s32 @p1 $0x1;
	p0 =	seq.s32 s7, s2  }
0x1e: {  	s7 =	smul.u32 @!p0 $0xF7A, s2;
	p2 =	seq.s32 @!p0 s5, $0x0  }
0x1f: {  	s9 =	smul.u32 $0xF7A, s1;
	s8 =	simm.s32 @!p0 $0x1BF5;
	p2 =	por !p2, p0  }
0x20: {  	[sflag:s8] =	ssyncset.s32 @!p0 $0xFFFFF086;
	s6 =	sadd.s32 @!p0 s3, s7;
	s7 =	simm.s32 @!p0 $0x108  }
0x21: {  	s3 =	sadd.s32 s3, s9;
	s6 =	sadd.s32 @!p0 $0x88, s6;
	s7 =	simm.s32 @p2 $0x1082  }
0x22: {  	[simem:s7], [sflag:s8] =	dma.local @!p0 [hbm:s6], $0xF7A  }
0x23: {  	s9 =	sor.u32 $0xD0000000, s2;
	s6 =	simm.s32 $0x108;
	_ =	swait.ge @!p0 [sflag:s8], $0x0  }
0x24: {  	s3 =	sadd.s32 $0x88, s3;
	s6 =	simm.s32 @!p1 $0x1082;
	[sflag:s4] =	ssyncset.s32 $0xFFFFF086  }
0x25: {  	[simem:s6], [sflag:s4] =	dma.local [hbm:s3], $0xF7A  }
0x26: {  	[smem:$0x3F97] =	sst s1;
	(tag) =	ssettag s2;
	_ =	strace s9  }
0x27: {  	s1 =	sld [smem:$0x3FA7]  }
0x28: {  	s2 =	sld [smem:$0x3FA8]  }
0x29: {  	s4 =	sld [smem:$0x3FAA]  }
0x2a: {  	p0 =	seq.s32 s5, $0x0;
	s5 =	sld [smem:$0x3FAB]  }
0x2b: {  	s6 =	sld [smem:$0x3FAC]  }
0x2c: {  	s7 =	sld [smem:$0x3FAD]  }
0x2d: {  	s3 =	simm.s32 $0x108;
	s8 =	sld [smem:$0x3FAE]  }
0x2e: {  	s3 =	simm.s32 @!p0 $0x1082;
	s9 =	sld [smem:$0x3FAF]  }
0x2f: {  	lr =	sadd.s32 s0, s3;
	s0 =	sld [smem:$0x3FA6]  }
0x30: {  	s3 =	sld [smem:$0x3FA9]  }
0x31: {  	[smem:$0x3FB2] =	sst s10  }
0x32: {  	s10 =	sld [smem:$0x3FB0];
	_ =	sdelay $0x3  }
0x33: {  	p0 =	seq.s32 s10, $0x1;
	s10 =	sld [smem:$0x3FB2];
	_ =	sdelay $0x3  }
0x34: {  	[smem:$0x3FB2] =	sst s10  }
0x35: {  	s10 =	sld [smem:$0x3FB1];
	_ =	sdelay $0x3  }
0x36: {  	p1 =	seq.s32 s10, $0x1;
	s10 =	sld [smem:$0x3FB2];
	_ =	sdelay $0x3  }
0x37: {  	[smem:$0x3FB2] =	sst s10  }
0x38: {  	s10 =	sld [smem:$0x3FB3]  }
0x39: {  	_ = 	snop;
	(pc) =	sbr.ind lr, $3  }
0x3a: {  	_ = 	snop  }
0x3b: {  	_ = 	snop  }
0x3c: {  	p2 =	seq.s32 s10, $0x1;
	s10 =	sld [smem:$0x3FB2]  }
0x3d: {  	_ =	shalt  }
0x3e: {  	_ =	shalt  }
0x3f: {  	_ =	shalt  }
0x40: {  	_ =	shalt  }
0x41: {  	_ =	shalt  }
0x42: {  	_ =	shalt  }
0x43: {  	_ =	shalt  }
0x44: {  	_ =	shalt  }
0x45: {  	_ =	shalt  }
0x46: {  	_ =	shalt  }
0x47: {  	_ =	shalt  }
0x48: {  	_ =	shalt  }
0x49: {  	_ =	shalt  }
0x4a: {  	_ =	shalt  }
0x4b: {  	_ =	shalt  }
0x4c: {  	_ =	shalt  }
0x4d: {  	_ =	shalt  }
0x4e: {  	_ =	shalt  }
0x4f: {  	_ =	shalt  }
0x50: {  	_ =	shalt  }
0x51: {  	_ =	shalt  }
0x52: {  	_ =	shalt  }
0x53: {  	_ =	shalt  }
0x54: {  	_ =	shalt  }
0x55: {  	_ =	shalt  }
0x56: {  	_ =	shalt  }
0x57: {  	_ =	shalt  }
0x58: {  	_ =	shalt  }
0x59: {  	_ =	shalt  }
0x5a: {  	_ =	shalt  }
0x5b: {  	_ =	shalt  }
0x5c: {  	_ =	shalt  }
0x5d: {  	_ =	shalt  }
0x5e: {  	_ =	shalt  }
0x5f: {  	_ =	shalt  }
0x60: {  	_ =	shalt  }
0x61: {  	_ =	shalt  }
0x62: {  	_ =	shalt  }
0x63: {  	_ =	shalt  }
0x64: {  	_ =	shalt  }
0x65: {  	_ =	shalt  }
0x66: {  	_ =	shalt  }
0x67: {  	_ =	shalt  }
0x68: {  	_ =	shalt  }
0x69: {  	_ =	shalt  }
0x6a: {  	_ =	shalt  }
0x6b: {  	_ =	shalt  }
0x6c: {  	_ =	shalt  }
0x6d: {  	_ =	shalt  }
0x6e: {  	_ =	shalt  }
0x6f: {  	_ =	shalt  }
0x70: {  	_ =	shalt  }
0x71: {  	_ =	shalt  }
0x72: {  	_ =	shalt  }
0x73: {  	_ =	shalt  }
0x74: {  	_ =	shalt  }
0x75: {  	_ =	shalt  }
0x76: {  	_ =	shalt  }
0x77: {  	_ =	shalt  }
0x78: {  	_ =	shalt  }
0x79: {  	_ =	shalt  }
0x7a: {  	_ =	shalt  }
0x7b: {  	_ =	shalt  }
0x7c: {  	_ =	shalt  }
0x7d: {  	_ =	shalt  }
0x7e: {  	_ =	shalt  }
0x7f: {  	_ =	shalt  }
0x80: {  	_ =	shalt  }
0x81: {  	_ =	shalt  }
0x82: {  	_ =	shalt  }
0x83: {  	_ =	shalt  }
0x84: {  	_ =	shalt  }
0x85: {  	_ =	shalt  }
0x86: {  	_ =	shalt  }
0x87: {  	_ =	shalt  }
.Lfunc_end0:
.L_simem_size_0:
called_computation_lowered:
.L_overlay_start_0:
0x88: {  	s2 =	sld [smem:$0x3FD9]  }
0x89: {  	s3 =	sld [smem:$0x3FFE];
	_ =	sdelay $0x1  }
0x8a: {  	s1 =	srdreg.scid  }
0x8b: {  	s0 =	sand.u32 $0x1, s1  }
0x8c: {  	s17 =	sshll.u32 s0, $0xA;
	s2 =	sadd.s32 s3, s2  }
0x8d: {  	s2 =	sadd.s32 s2, s17  }
0x8e: {  	[smem:$0x3FBE] =	sst s2  }
0x8f: {  	_ = 	snop  }
0x90: {  	s2 =	sld [smem:$0x3FD0];
	(tm) =	ssettm $0x1  }
0x91: {  	s18 =	sld [smem:$0x3FFB];
	_ =	sdelay $0x3  }
0x92: {  	_ =	strace s18  }
0x93: {  	s3 =	sld [smem:$0x3FFC];
	_ =	sdelay $0x3  }
0x94: {  	_ =	strace s3  }
0x95: {  	s3 =	sld [smem:$0x3FFD];
	_ =	sdelay $0x3  }
0x96: {  	_ =	strace s3  }
0x97: {  	_ =	strace $0x8FFFFFFF  }
0x98: {  	s19 =	sld [smem:$0x3FDB];
	_ =	sdelay $0x1  }
0x99: {  	s4 =	simm.s32 $_scs_section_size  }
0x9a: {  	s5 =	simm.s32 $_size__tile_overlayer_lowered;
	s6 =	simm.s32 $_tile_overlayer_lowered  }
0x9b: {  	s22 =	simm.s32 $0x1BFF;
	s21 =	sshll.u32 s6, $0x1;
	s3 =	sadd.s32 s4, s19  }
0x9c: {  	s7 =	simm.s32 $0x0;
	s20 =	sshll.u32 s5, $0x1;
	s5 =	sadd.s32 s21, s3  }
0x9d: {  	[timem:s7], [sflag:s22] =	dma.local [hbm:s5], s20  }
0x9e: {  	_ =	swait.ge [sflag:s22], s20  }
0x9f: {  	s4 =	ssub.s32 $0x0, s20;
	[sflag:s22] =	ssyncset.done $0x0  }
0xa0: {  	[sflag:s22] =	ssyncadd.s32 s4;
	_ =	sdelay $0x1  }
0xa1: {  	s23 =	simm.s32 $0x1B8B  }
0xa2: {  	_ =	swait.ge [sflag:s23], $0x1  }
0xa3: {  	[sflag:s23] =	ssyncset.done $0x0  }
0xa4: {  	s25 =	simm.s32 $0x1B8E;
	s24 =	sld [smem:$0x3FFE];
	[sflag:s23] =	ssyncadd.s32 $0xFFFFFFFF  }
0xa5: {  	s26 =	simm.s32 $execute0_lowered;
	[smem:$0x3FD2] =	sst s25  }
0xa6: {  	s5 =	sshll.u32 s26, $0x1;
	_ =	strace $0x80000046;
	[dreg:$0x1] =	wrdreg $0xFFFFFFFF  }
0xa7: {  	s28 =	simm.s32 $_size_execute0_lowered;
	s3 =	sadd.s32 s3, s5;
	[dreg:$0x0] =	wrdreg $0x0  }
0xa8: {  	s5 =	sshll.u32 s28, $0x1;
	[dreg:$0x2] =	wrdreg s3  }
0xa9: {  	[dreg:$0x3] =	wrdreg s5  }
0xaa: {  	[dreg:$0x4] =	wrdreg $0xC0  }
0xab: {  	_ =	task [dreg:s7], $0x5FFFF  }
0xac: {  	[dreg:$0x1] =	wrdreg $0xFFFFFFFF  }
0xad: {  	[dreg:$0x0] =	wrdreg $0x60  }
0xae: {  	[dreg:$0x2] =	wrdreg s2  }
0xaf: {  	[dreg:$0x3] =	wrdreg s24  }
0xb0: {  	[dreg:$0x4] =	wrdreg $0x90000  }
0xb1: {  	[dreg:$0x5] =	wrdreg $0x9  }
0xb2: {  	_ =	task.clear_ibuf [dreg:s7], $0x6FFFF;
	_ =	strace $0x90000046  }
0xb3: {  	s29 =	simm.s32 $0x9;
	_ =	strace $0x80000048  }
0xb4: {  	_ =	swait.ge [sflag:s29], $0x1  }
0xb5: {  	[sflag:s29] =	ssyncadd.s32 $0xFFFFFFFF  }
0xb6: {  	_ =	strace $0x90000048  }
0xb7: {  	_ =	sfence  }
0xb8: {  	s30 =	sld [smem:$0x0];
	_ =	sdelay $0x2  }
0xb9: {  	s31 =	sshll.u32 s1, $0xD;
	s1 =	sshrl.u32 s1, $0x2  }
0xba: {  	s3 =	sand.u32 $0x4000, s31;
	s1 =	sadd.s32 s1, s30  }
0xbb: {  	s0 =	sor.u32 s3, s0;
	s1 =	sshll.u32 s1, $0x11  }
0xbc: {  	s0 =	sor.u32 s1, s0  }
0xbd: {  	s0 =	sadd.s32 $0x8F2B, s0  }
0xbe: {  	[sflag:s0] =	ssyncadd.remote.s32 $0x1  }
0xbf: {  	_ =	sfence.sel $0xFFFF  }
0xc0: {  	[dreg:$0x0] =	wrdreg $0xFFFFFFFF;
	(pc) =	sbr.abs _section_cstart, $3  }
0xc1: {  	[dreg:$0x1] =	wrdreg $0xFFFFFFFF  }
0xc2: {  	_ =	task.clear_ibuf [dreg:s7], $0x2FFFF;
	_ =	strace $0x9FFFFFFF  }
0xc3: {  	(tm) =	ssettm $0x7FFFFFFF  }
tec
execute0_lowered:
.L_overlay_start_1:
0x0: {  	(tag) =	ssettag $0x1  }
0x1: {  	s1 =	rddreg [dreg:$0x0]  }
0x2: {  	s6 =	rddreg [dreg:$0x1]  }
0x3: {  	s0 =	srdreg.scid;
	s3 =	rddreg [dreg:$0x2]  }
0x4: {  	s4 =	simm.s32 $0x0;
	s15 =	simm.s32 $0x2;
	s16 =	simm.s32 $0x2800  }
0x5: {  	s17 =	simm.s32 $0x5000;
	s18 =	simm.s32 $0x80;
	s5 =	sand.u32 $0x1, s0  }
0x6: {  	s19 =	simm.s32 $0x1;
	s0 =	stileid.u32;
	s8 =	smul.u32 $0x13C000, s5  }
0x7: {  	s22 =	simm.s32 $0x0;
	[smem:$0x7FF] =	sst s4;
	s9 =	smul.u32 $0x13C00, s0  }
0x8: {  	s2 =	sshll.u32 s5, $0x4;
	s30 =	ssub.s32 $0x2, s5;
	s10 =	smul.u32 $0x4F000, s0  }
0x9: {  	s5 =	sadd.s32 $0x17200, s6;
	s20 =	sshll.u32 s0, $0x6;
	s2 =	sor.u32 s0, s2  }
0xa: {  	s11 =	sshrl.u32 s30, $0x1;
	s20 =	sor.u32 $0x1C02, s20;
	s7 =	smul.u32 $0x500, s2  }
0xb: {  	s2 =	rddreg [dreg:$0x3];
	_ =	strace $0x80000047;
	s8 =	sadd.s32 s9, s8  }
0xc: {  	s14 =	ssub.s32 s30, s11;
	s31 =	sshrl.u32 s10, $0x2;
	s8 =	sshrl.u32 s8, $0x3  }
0xd: {  	s14 =	smax.u32 s14, $0x1;
	s7 =	sadd.s32 s7, s6;
	s13 =	sadd.s32 s8, s6  }
0xe: {  	s8 =	sadd.s32 s31, s3;
	s6 =	sadd.s32 $0xD200, s7;
	s7 =	sadd.s32 $0x3200, s7  }
0xf: {  	s9 =	sadd.s32 $0x4000, s8;
	s10 =	sadd.s32 $0x8000, s8;
	s11 =	sadd.s32 $0xC000, s8  }
0x10: {  	s12 =	sadd.s32 $0x10000, s8;
	s13 =	sadd.s32 $0x17A00, s13;
	s21 =	sshrl.u32 s8, $0x3  }
.LBB2_1:
0x11: {  	[tilespmem:s4], [sflag:$0x2] =	stream.linear.gather [hbm4b:s6+s4], $0x2800, $0x38;
	[tilespmem:$0x1CC00] =	vst v63  }
0x12: {  	_ =	swait.ge [sflag:s15], $0x2800  }
0x13: {  	[sflag:s15] =	ssyncset.done $0x0  }
0x14: {  	[sflag:s15] =	ssyncadd.s32 $0xFFFFD800  }
0x15: {  	[tilespmem:s16], [sflag:$0x2] =	stream.linear.gather [hbm4b:s7+s4], $0x2800, $0x38;
	[tilespmem:$0x1CC00] =	vst v63  }
0x16: {  	_ =	swait.ge [sflag:s15], $0x2800  }
0x17: {  	[sflag:s15] =	ssyncset.done $0x0  }
0x18: {  	[sflag:s15] =	ssyncadd.s32 $0xFFFFD800  }
0x19: {  	[tilespmem:s17], [sflag:$0x2] =	stream.linear.gather [hbm4b:s5+s4], $0x4000, $0x38;
	[tilespmem:$0x1CC00] =	vst v63  }
0x1a: {  	_ =	swait.ge [sflag:s15], $0x4000  }
0x1b: {  	[sflag:s15] =	ssyncset.done $0x0  }
0x1c: {  	[sflag:s15] =	ssyncadd.s32 $0xFFFFC000  }
0x1d: {  	[spmem:s8] =	stream.linear.scatter [tilespmem:s17], [sflag:$0x2], $0x4000, $0x38;
	[tilespmem:$0x1CC00] =	vst v63  }
0x1e: {  	_ =	swait.ge [sflag:s15], $0x4000  }
0x1f: {  	[sflag:s15] =	ssyncset.done $0x0  }
0x20: {  	[sflag:s15] =	ssyncadd.s32 $0xFFFFC000  }
0x21: {  	[spmem:s9] =	stream.linear.scatter [tilespmem:s17], [sflag:$0x2], $0x4000, $0x38;
	[tilespmem:$0x1CC00] =	vst v63  }
0x22: {  	_ =	swait.ge [sflag:s15], $0x4000  }
0x23: {  	[sflag:s15] =	ssyncset.done $0x0  }
0x24: {  	[sflag:s15] =	ssyncadd.s32 $0xFFFFC000  }
0x25: {  	[spmem:s10] =	stream.linear.scatter [tilespmem:s17], [sflag:$0x2], $0x4000, $0x38;
	[tilespmem:$0x1CC00] =	vst v63  }
0x26: {  	_ =	swait.ge [sflag:s15], $0x4000  }
0x27: {  	[sflag:s15] =	ssyncset.done $0x0  }
0x28: {  	[sflag:s15] =	ssyncadd.s32 $0xFFFFC000  }
0x29: {  	[spmem:s11] =	stream.linear.scatter [tilespmem:s17], [sflag:$0x2], $0x4000, $0x38;
	[tilespmem:$0x1CC00] =	vst v63  }
0x2a: {  	_ =	swait.ge [sflag:s15], $0x4000  }
0x2b: {  	[sflag:s15] =	ssyncset.done $0x0  }
0x2c: {  	[sflag:s15] =	ssyncadd.s32 $0xFFFFC000  }
0x2d: {  	[spmem:s12] =	stream.linear.scatter [tilespmem:s17], [sflag:$0x2], $0x3C00, $0x38;
	[tilespmem:$0x1CC00] =	vst v63  }
0x2e: {  	_ =	swait.ge [sflag:s15], $0x3C00  }
0x2f: {  	[sflag:s15] =	ssyncset.done $0x0  }
0x30: {  	[sflag:s15] =	ssyncadd.s32 $0xFFFFC400  }
0x31: {  	s23 =	simm.s32 $0x0;
	[bflag:$0x0] =	sbarrier.arrive $0xFFFF  }
0x32: {  	[tilespmem:s17], [sflag:$0x1] =	stream.indirect.gather [hbm4b:s1+s18], $0x80, s23, s18, $0xb8;
	[tilespmem:$0x1CC00] =	vst v63  }
0x33: {  	_ =	swait.ge [sflag:s19], $0x4000  }
0x34: {  	[sflag:s19] =	ssyncset.done $0x0  }
0x35: {  	s31 =	simm.s32 $0x2800;
	[sflag:s19] =	ssyncadd.s32 $0xFFFFC000  }
0x36: {  	[spmem:s3] =	stream.indirect.scatter.add.f32 [tilespmem:s17], [sflag:$0x2], $0x80, s31, s18, $0xb8;
	[tilespmem:$0x1CC00] =	vst v63  }
0x37: {  	_ =	swait.ge [sflag:s15], $0x4000  }
0x38: {  	s24 =	simm.s32 $0x400;
	s23 =	simm.s32 $0x200;
	[sflag:s15] =	ssyncset.done $0x0  }
.LBB2_2:
0x39: {  	s25 =	sshra.s32 s23, $0x2  }
0x3a: {  	[sflag:s15] =	ssyncadd.s32 $0xFFFFC000;
	s23 =	smov.u32 s24;
	s26 =	sadd.s32 $0x200, s24  }
0x3b: {  	[tilespmem:s17], [sflag:$0x1] =	stream.indirect.gather [hbm4b:s1+s18], $0x80, s25, s18, $0xb8;
	[tilespmem:$0x1CC00] =	vst v63  }
0x3c: {  	p0 =	sne.s32 s24, $0x9E00;
	_ =	swait.ge [sflag:s19], $0x4000  }
.Ltmp0:
0x3d: {  	[sflag:s19] =	ssyncset.done $0x0;
	(pc) =	sbr.rel @p0 .LBB2_2-.Ltmp0, $4  }
0x3e: {  	s24 =	sadd.s32 $0x2800, s25;
	[sflag:s19] =	ssyncadd.s32 $0xFFFFC000  }
0x3f: {  	[spmem:s3] =	stream.indirect.scatter.add.f32 [tilespmem:s17], [sflag:$0x2], $0x80, s24, s18, $0xb8;
	[tilespmem:$0x1CC00] =	vst v63  }
0x40: {  	_ =	swait.ge [sflag:s15], $0x4000  }
0x41: {  	s24 =	smov.u32 s26;
	[sflag:s15] =	ssyncset.done $0x0  }
0x42: {  	s23 =	sshra.s32 s23, $0x2;
	[sflag:s15] =	ssyncadd.s32 $0xFFFFC000  }
0x43: {  	[tilespmem:s17], [sflag:$0x1] =	stream.indirect.gather [hbm4b:s1+s18], $0x80, s23, s18, $0xb8;
	[tilespmem:$0x1CC00] =	vst v63  }
0x44: {  	_ =	swait.ge [sflag:s19], $0x4000  }
0x45: {  	[sflag:s19] =	ssyncset.done $0x0  }
0x46: {  	s23 =	sadd.s32 $0x2800, s23;
	[sflag:s19] =	ssyncadd.s32 $0xFFFFC000  }
0x47: {  	[spmem:s3] =	stream.indirect.scatter.add.f32 [tilespmem:s17], [sflag:$0x2], $0x80, s23, s18, $0xb8;
	[tilespmem:$0x1CC00] =	vst v63  }
0x48: {  	_ =	swait.ge [sflag:s15], $0x4000  }
0x49: {  	s22 =	sadd.s32 $0x1, s22;
	[sflag:s15] =	ssyncset.done $0x0  }
0x4a: {  	p0 =	sne.s32 s22, s14;
	[sflag:s15] =	ssyncadd.s32 $0xFFFFC000  }
.Ltmp1:
0x4b: {  	[bflag:$0x0] =	sbarrier.arrive $0xFFFF;
	(pc) =	sbr.rel @p0 .LBB2_1-.Ltmp1, $4  }
0x4c: {  	[hbm:s13], [sflag:s20] =	dma.local [spmem:s21], $0x2780  }
0x4d: {  	_ =	swait.ge [sflag:s15], $0x2780  }
0x4e: {  	[sflag:s15] =	ssyncset.done $0x0  }
0x4f: {  	[sflag:s15] =	ssyncadd.s32 $0xFFFFD880  }
0x50: {  	_ =	sfence.sel $0x180000  }
0x51: {  	[bflag:$0x0] =	sbarrier.arrive $0xFFFF  }
0x52: {  	p0 =	sne.s32 s0, $0x0;
	_ =	strace $0x90000047  }
0x53: {  	s0 =	sadd.s32 @!p0 $0x100000, s2;
	[bflag:$0x2] =	sbarrier.arrive $0xFFFF  }
0x54: {  	[sflag:s0] =	ssyncadd.tile.s32 @!p0 $0x1;
	_ =	shalt  }
.Lfunc_end2:
_tile_overlayer_lowered:
.L_overlay_start_2:
0x55: {  	(tag) =	ssettag $0x2  }
0x56: {  	s0 =	rddreg [dreg:$0x0];
	s2 =	stileid.u32  }
0x57: {  	s1 =	rddreg [dreg:$0x1];
	p0 =	sne.s32 s2, $0x0  }
0x58: {  	s3 =	rddreg [dreg:$0x2];
	[bflag:$0x3] =	sbarrier.arrive $0xFFFF;
	s2 =	simm.s32 @!p0 $0x1C02  }
0x59: {  	[timem:s3], [sflag:s2] =	dma.local @!p0 [hbm:s0], s1  }
0x5a: {  	s0 =	simm.s32 @!p0 $0x2  }
0x5b: {  	_ =	swait.ge @!p0 [sflag:s0], s1  }
0x5c: {  	s1 =	ssub.s32 @!p0 $0x0, s1;
	[sflag:s0] =	ssyncset.done @!p0 $0x0  }
0x5d: {  	[sflag:s0] =	ssyncadd.s32 @!p0 s1  }
0x5e: {  	[bflag:$0x3] =	sbarrier.arrive $0xFFFF  }
0x5f: {  	_ =	shalt  }

</sc_bundles>
